<compile_context>
chip_gen: v7x
topology: tpu7x:2x2x1
jax: 0.10.2.dev20260603
libtpu: 0.0.44.dev20260713+nightly
codegen_flags: <defaults>
</compile_context>

<pallas_src>
import jax
import jax.numpy as jnp
from jax import lax
from jax.experimental import pallas as pl
from jax.experimental.pallas import tpu as pltpu
from jax.experimental.pallas import tpu_sc as plsc

B = 128
T = 2048
V = 100
N = 64

NC = 1
NS = 16
L = 16
NW = NC * NS
RPW = B // NW
NCH = N // L

_NEG = -3.4e38


def _body(flat_ref, gum_ref, valid_ref, out_ref,
          valid_v, gum_v, rows_v, res_v, oidx_v, sem):
    wid = lax.axis_index("s") * NC + lax.axis_index("c")
    base_row = wid * RPW

    pltpu.sync_copy(valid_ref, valid_v)
    pltpu.sync_copy(gum_ref.at[pl.ds(base_row * N, RPW * N)], gum_v)
    pltpu.sync_copy(flat_ref.at[pl.ds(base_row * V, RPW * V)], rows_v)

    lanes = lax.iota(jnp.int32, L)
    lane0 = lanes == 0

    for r in range(RPW):
        bv = jnp.full((L,), _NEG, jnp.float32)
        bi = jnp.zeros((L,), jnp.int32)
        for c in range(NCH):
            vv = valid_v[pl.ds(c * L, L)]
            sc = (plsc.load_gather(rows_v, [vv + r * V])
                  + gum_v[pl.ds(r * N + c * L, L)])
            upd = sc > bv
            bv = jnp.where(upd, sc, bv)
            bi = jnp.where(upd, lanes + c * L, bi)
        m = jnp.max(bv)
        am = jnp.min(jnp.where(bv == m, bi, N))
        vid = plsc.load_gather(valid_v, [jnp.full((L,), am, jnp.int32)])
        plsc.store_scatter(res_v, [jnp.full((L,), r, jnp.int32)], vid,
                           mask=lane0)

    plsc.store_scatter(oidx_v, [jnp.minimum(lanes, RPW - 1)],
                       base_row + lanes, mask=lanes < RPW)
    pltpu.async_copy(res_v, out_ref.at[oidx_v], sem).wait()


@jax.jit
def _run(flat, gum, valid):
    f = pl.kernel(
        _body,
        out_type=jax.ShapeDtypeStruct((B,), jnp.int32),
        mesh=plsc.VectorSubcoreMesh(core_axis_name="c", subcore_axis_name="s",
                                    num_cores=NC, num_subcores=NS),
        compiler_params=pltpu.CompilerParams(needs_layout_passes=False),
        scratch_types=[
            pltpu.VMEM((N,), jnp.int32),
            pltpu.VMEM((RPW * N,), jnp.float32),
            pltpu.VMEM((RPW * V,), jnp.float32),
            pltpu.VMEM((RPW,), jnp.int32),
            pltpu.VMEM((RPW,), jnp.int32),
            pltpu.SemaphoreType.DMA,
        ],
    )
    return f(flat, gum, valid)


def kernel(logits, encoded_valid_chars):
    flat = logits[:, -1, :].reshape(-1)
    gum = jax.random.gumbel(jax.random.key(42), (B, N), jnp.float32).reshape(-1)
    out = _run(flat, gum, encoded_valid_chars)
    return out[:, None]

# --- scband reference (transcript-rebuilt; emitter-appended) ---
"""Pipeline reference for scband-choose-character-layer-85246510891491 (READ-ONLY COPY).

The authoritative reference and input builder live on the scoring server;
editing this copy changes nothing except your own understanding.
"""

import jax, jax.numpy as jnp
import numpy as np

B = 128
T = 2048
VOCAB = 100
N_VALID = 64


def setup_inputs(seed: int = 0) -> dict:
    key = jax.random.key(seed)
    k1, k2 = jax.random.split(key)
    logits = jax.random.normal(k1, (B, T, VOCAB), dtype=jnp.float32)
    # Stand-in for encoder(valid_chars): indices of the allowed characters in the vocabulary
    encoded_valid_chars = jax.random.randint(k2, (N_VALID,), 0, VOCAB, dtype=jnp.int32)
    return {"logits": logits, "encoded_valid_chars": encoded_valid_chars}


def reference(logits, encoded_valid_chars):
    # logits[:, -1, :] -> take last timestep
    last = logits[:, -1, :]
    # tf.gather(last, encoded_valid_chars, axis=1)
    logits_subset = jnp.take(last, encoded_valid_chars, axis=1)
    # tf.random.categorical(logits_subset, num_samples=1) (Gumbel-max categorical)
    key = jax.random.key(42)
    choose_tokens = jax.random.categorical(key, logits_subset, axis=-1)[:, None]  # (B, 1)
    # tf.gather(self.valid_chars, choose_tokens): map subset position back to vocab id
    # (strings are not representable in jnp; we return the encoded char ids, which is the
    #  exact integer analogue of the character lookup)
    out = jnp.take(encoded_valid_chars, choose_tokens[:, 0], axis=0)[:, None]  # (B, 1)
    return out

if __name__ == "__main__":
    import jax
    _d = setup_inputs()
    print(jax.jit(kernel)(*tuple(_d.values())))

</pallas_src>

<mosaic_0001>
#map = affine_map<(d0, d1) -> (0)>
module attributes {stable_mosaic.version = 14 : i64} {
  func.func @_body(%arg0: i32, %arg1: i32, %arg2: memref<12800xf32, #tpu.memory_space<hbm>>, %arg3: memref<8192xf32, #tpu.memory_space<hbm>>, %arg4: memref<64xi32, #tpu.memory_space<hbm>>, %arg5: memref<128xi32, #tpu.memory_space<hbm>>, %arg6: memref<64xi32, #tpu.memory_space<vmem>>, %arg7: memref<512xf32, #tpu.memory_space<vmem>>, %arg8: memref<800xf32, #tpu.memory_space<vmem>>, %arg9: memref<8xi32, #tpu.memory_space<vmem>>, %arg10: memref<8xi32, #tpu.memory_space<vmem>>, %arg11: memref<!tpu.dma_semaphore, #tpu.memory_space<semaphore_mem>>) attributes {dimension_semantics = [#tpu.dimension_semantics<core_parallel>, #tpu.dimension_semantics<subcore_parallel>], iteration_bounds = array<i64: 1, 16>, scalar_prefetch = 0 : i64, scratch_operands = 6 : i64, tpu.core_type = #tpu.core_type<sc_vector_subcore>, window_params = [{transform_indices = #map}, {transform_indices = #map}, {transform_indices = #map}, {transform_indices = #map}]} {
    %mul3A = arith.constant 1 : i32
    %mul3A_0 = arith.muli %arg1, %mul3A : i32
    %add3A = arith.addi %mul3A_0, %arg0 : i32
    %mul3A_1 = arith.constant 8 : i32
    %mul3A_2 = arith.muli %add3A, %mul3A_1 : i32
    "tpu.region"() ({
      %run_scoped3A = tpu.sem_alloc : memref<!tpu.dma_semaphore, #tpu.memory_space<semaphore_mem>>
      tpu.enqueue_dma source(%arg4 : memref<64xi32, #tpu.memory_space<hbm>>) target(%arg6 : memref<64xi32, #tpu.memory_space<vmem>>) target_semaphore(%run_scoped3A : memref<!tpu.dma_semaphore, #tpu.memory_space<semaphore_mem>>)
      tpu.wait_dma2 semaphore(%run_scoped3A : memref<!tpu.dma_semaphore, #tpu.memory_space<semaphore_mem>>) src(%arg4 : memref<64xi32, #tpu.memory_space<hbm>>) dst(%arg6 : memref<64xi32, #tpu.memory_space<vmem>>)
      tpu.yield
    }) : () -> ()
    %mul3A_3 = arith.constant 64 : i32
    %mul3A_4 = arith.muli %mul3A_2, %mul3A_3 : i32
    "tpu.region"() ({
      %run_scoped3A = tpu.sem_alloc : memref<!tpu.dma_semaphore, #tpu.memory_space<semaphore_mem>>
      %dma_start3A_689 = tpu.memref_slice %arg3[%mul3A_4] : memref<8192xf32, #tpu.memory_space<hbm>> -> memref<512xf32, #tpu.memory_space<hbm>>
      %dma_start3A_690 = tpu.memref_slice %arg3[%mul3A_4] : memref<8192xf32, #tpu.memory_space<hbm>> -> memref<512xf32, #tpu.memory_space<hbm>>
      tpu.enqueue_dma source(%dma_start3A_690 : memref<512xf32, #tpu.memory_space<hbm>>) target(%arg7 : memref<512xf32, #tpu.memory_space<vmem>>) target_semaphore(%run_scoped3A : memref<!tpu.dma_semaphore, #tpu.memory_space<semaphore_mem>>)
      %dma_wait3A_691 = tpu.memref_slice %arg3[%mul3A_4] : memref<8192xf32, #tpu.memory_space<hbm>> -> memref<512xf32, #tpu.memory_space<hbm>>
      %dma_wait3A_692 = tpu.memref_slice %arg3[%mul3A_4] : memref<8192xf32, #tpu.memory_space<hbm>> -> memref<512xf32, #tpu.memory_space<hbm>>
      tpu.wait_dma2 semaphore(%run_scoped3A : memref<!tpu.dma_semaphore, #tpu.memory_space<semaphore_mem>>) src(%dma_wait3A_692 : memref<512xf32, #tpu.memory_space<hbm>>) dst(%arg7 : memref<512xf32, #tpu.memory_space<vmem>>)
      tpu.yield
    }) : () -> ()
    %mul3A_5 = arith.constant 100 : i32
    %mul3A_6 = arith.muli %mul3A_2, %mul3A_5 : i32
    "tpu.region"() ({
      %run_scoped3A = tpu.sem_alloc : memref<!tpu.dma_semaphore, #tpu.memory_space<semaphore_mem>>
      %dma_start3A_689 = tpu.memref_slice %arg2[%mul3A_6] : memref<12800xf32, #tpu.memory_space<hbm>> -> memref<800xf32, #tpu.memory_space<hbm>>
      %dma_start3A_690 = tpu.memref_slice %arg2[%mul3A_6] : memref<12800xf32, #tpu.memory_space<hbm>> -> memref<800xf32, #tpu.memory_space<hbm>>
      tpu.enqueue_dma source(%dma_start3A_690 : memref<800xf32, #tpu.memory_space<hbm>>) target(%arg8 : memref<800xf32, #tpu.memory_space<vmem>>) target_semaphore(%run_scoped3A : memref<!tpu.dma_semaphore, #tpu.memory_space<semaphore_mem>>)
      %dma_wait3A_691 = tpu.memref_slice %arg2[%mul3A_6] : memref<12800xf32, #tpu.memory_space<hbm>> -> memref<800xf32, #tpu.memory_space<hbm>>
      %dma_wait3A_692 = tpu.memref_slice %arg2[%mul3A_6] : memref<12800xf32, #tpu.memory_space<hbm>> -> memref<800xf32, #tpu.memory_space<hbm>>
      tpu.wait_dma2 semaphore(%run_scoped3A : memref<!tpu.dma_semaphore, #tpu.memory_space<semaphore_mem>>) src(%dma_wait3A_692 : memref<800xf32, #tpu.memory_space<hbm>>) dst(%arg8 : memref<800xf32, #tpu.memory_space<vmem>>)
      tpu.yield
    }) : () -> ()
    %iota3A = tpu.iota {dimensions = array<i32: 0>} : vector<16xi32>
    %eq3A = arith.constant 0 : i32
    %eq3A_7 = vector.broadcast %eq3A : i32 to vector<16xi32>
    %eq3A_8 = arith.cmpi eq, %iota3A, %eq3A_7 : vector<16xi32>
    %broadcast_in_dim3A = arith.constant -3.400000e+38 : f32
    %broadcast_in_dim3A_9 = vector.broadcast %broadcast_in_dim3A : f32 to vector<16xf32>
    %broadcast_in_dim3A_10 = arith.constant 0 : i32
    %broadcast_in_dim3A_11 = vector.broadcast %broadcast_in_dim3A_10 : i32 to vector<16xi32>
    %get3A = arith.constant 0 : index
    %get3A_12 = tpu.vector_load %arg6[%get3A] {strides = array<i32>} : memref<64xi32, #tpu.memory_space<vmem>>, vector<16xi32>,
    %add3A_13 = arith.constant 0 : i32
    %add3A_14 = vector.broadcast %add3A_13 : i32 to vector<16xi32>
    %add3A_15 = arith.addi %get3A_12, %add3A_14 : vector<16xi32>
    %gather3A = tpu.vector_load_idx %arg8[%add3A_15] : memref<800xf32, #tpu.memory_space<vmem>>[vector<16xi32>], vector<16xf32>,
    %get3A_16 = arith.constant 0 : index
    %get3A_17 = tpu.vector_load %arg7[%get3A_16] {strides = array<i32>} : memref<512xf32, #tpu.memory_space<vmem>>, vector<16xf32>,
    %add3A_18 = arith.addf %gather3A, %get3A_17 : vector<16xf32>
    %gt3A = arith.cmpf ogt, %add3A_18, %broadcast_in_dim3A_9 : vector<16xf32>
    %select_n3A = arith.select %gt3A, %add3A_18, %broadcast_in_dim3A_9 : vector<16xi1>, vector<16xf32>
    %add3A_19 = arith.constant 0 : i32
    %add3A_20 = vector.broadcast %add3A_19 : i32 to vector<16xi32>
    %add3A_21 = arith.addi %iota3A, %add3A_20 : vector<16xi32>
    %select_n3A_22 = arith.select %gt3A, %add3A_21, %broadcast_in_dim3A_11 : vector<16xi1>, vector<16xi32>
    %get3A_23 = arith.constant 16 : index
    %get3A_24 = tpu.vector_load %arg6[%get3A_23] {strides = array<i32>} : memref<64xi32, #tpu.memory_space<vmem>>, vector<16xi32>,
    %add3A_25 = arith.constant 0 : i32
    %add3A_26 = vector.broadcast %add3A_25 : i32 to vector<16xi32>
    %add3A_27 = arith.addi %get3A_24, %add3A_26 : vector<16xi32>
    %gather3A_28 = tpu.vector_load_idx %arg8[%add3A_27] : memref<800xf32, #tpu.memory_space<vmem>>[vector<16xi32>], vector<16xf32>,
    %get3A_29 = arith.constant 16 : index
    %get3A_30 = tpu.vector_load %arg7[%get3A_29] {strides = array<i32>} : memref<512xf32, #tpu.memory_space<vmem>>, vector<16xf32>,
    %add3A_31 = arith.addf %gather3A_28, %get3A_30 : vector<16xf32>
    %gt3A_32 = arith.cmpf ogt, %add3A_31, %select_n3A : vector<16xf32>
    %select_n3A_33 = arith.select %gt3A_32, %add3A_31, %select_n3A : vector<16xi1>, vector<16xf32>
    %add3A_34 = arith.constant 16 : i32
    %add3A_35 = vector.broadcast %add3A_34 : i32 to vector<16xi32>
    %add3A_36 = arith.addi %iota3A, %add3A_35 : vector<16xi32>
    %select_n3A_37 = arith.select %gt3A_32, %add3A_36, %select_n3A_22 : vector<16xi1>, vector<16xi32>
    %get3A_38 = arith.constant 32 : index
    %get3A_39 = tpu.vector_load %arg6[%get3A_38] {strides = array<i32>} : memref<64xi32, #tpu.memory_space<vmem>>, vector<16xi32>,
    %add3A_40 = arith.constant 0 : i32
    %add3A_41 = vector.broadcast %add3A_40 : i32 to vector<16xi32>
    %add3A_42 = arith.addi %get3A_39, %add3A_41 : vector<16xi32>
    %gather3A_43 = tpu.vector_load_idx %arg8[%add3A_42] : memref<800xf32, #tpu.memory_space<vmem>>[vector<16xi32>], vector<16xf32>,
    %get3A_44 = arith.constant 32 : index
    %get3A_45 = tpu.vector_load %arg7[%get3A_44] {strides = array<i32>} : memref<512xf32, #tpu.memory_space<vmem>>, vector<16xf32>,
    %add3A_46 = arith.addf %gather3A_43, %get3A_45 : vector<16xf32>
    %gt3A_47 = arith.cmpf ogt, %add3A_46, %select_n3A_33 : vector<16xf32>
    %select_n3A_48 = arith.select %gt3A_47, %add3A_46, %select_n3A_33 : vector<16xi1>, vector<16xf32>
    %add3A_49 = arith.constant 32 : i32
    %add3A_50 = vector.broadcast %add3A_49 : i32 to vector<16xi32>
    %add3A_51 = arith.addi %iota3A, %add3A_50 : vector<16xi32>
    %select_n3A_52 = arith.select %gt3A_47, %add3A_51, %select_n3A_37 : vector<16xi1>, vector<16xi32>
    %get3A_53 = arith.constant 48 : index
    %get3A_54 = tpu.vector_load %arg6[%get3A_53] {strides = array<i32>} : memref<64xi32, #tpu.memory_space<vmem>>, vector<16xi32>,
    %add3A_55 = arith.constant 0 : i32
    %add3A_56 = vector.broadcast %add3A_55 : i32 to vector<16xi32>
    %add3A_57 = arith.addi %get3A_54, %add3A_56 : vector<16xi32>
    %gather3A_58 = tpu.vector_load_idx %arg8[%add3A_57] : memref<800xf32, #tpu.memory_space<vmem>>[vector<16xi32>], vector<16xf32>,
    %get3A_59 = arith.constant 48 : index
    %get3A_60 = tpu.vector_load %arg7[%get3A_59] {strides = array<i32>} : memref<512xf32, #tpu.memory_space<vmem>>, vector<16xf32>,
    %add3A_61 = arith.addf %gather3A_58, %get3A_60 : vector<16xf32>
    %gt3A_62 = arith.cmpf ogt, %add3A_61, %select_n3A_48 : vector<16xf32>
    %select_n3A_63 = arith.select %gt3A_62, %add3A_61, %select_n3A_48 : vector<16xi1>, vector<16xf32>
    %add3A_64 = arith.constant 48 : i32
    %add3A_65 = vector.broadcast %add3A_64 : i32 to vector<16xi32>
    %add3A_66 = arith.addi %iota3A, %add3A_65 : vector<16xi32>
    %select_n3A_67 = arith.select %gt3A_62, %add3A_66, %select_n3A_52 : vector<16xi1>, vector<16xi32>
    %reduce_max3A = arith.constant true
    %reduce_max3A_68 = vector.broadcast %reduce_max3A : i1 to vector<16xi1>
    %reduce_max3A_69 = tpu.scan <max>, %select_n3A_63 masked %reduce_max3A_68 : vector<16xf32>, vector<16xi1> -> vector<16xf32>
    %reduce_max3A_70 = vector.extract %reduce_max3A_69[15] : f32 from vector<16xf32>
    %eq3A_71 = vector.broadcast %reduce_max3A_70 : f32 to vector<16xf32>
    %eq3A_72 = arith.cmpf oeq, %select_n3A_63, %eq3A_71 : vector<16xf32>
    %jit3A = arith.constant 64 : i32
    %broadcast_in_dim3A_73 = vector.broadcast %jit3A : i32 to vector<16xi32>
    %select_n3A_74 = arith.select %eq3A_72, %select_n3A_67, %broadcast_in_dim3A_73 : vector<16xi1>, vector<16xi32>
    %reduce_min3A = arith.constant true
    %reduce_min3A_75 = vector.broadcast %reduce_min3A : i1 to vector<16xi1>
    %reduce_min3A_76 = arith.constant -2147483648 : i32
    %reduce_min3A_77 = vector.broadcast %reduce_min3A_76 : i32 to vector<16xi32>
    %reduce_min3A_78 = arith.xori %select_n3A_74, %reduce_min3A_77 : vector<16xi32>
    %reduce_min3A_79 = tpu.scan <min>, %reduce_min3A_78 masked %reduce_min3A_75 : vector<16xi32>, vector<16xi1> -> vector<16xi32>
    %reduce_min3A_80 = arith.xori %reduce_min3A_79, %reduce_min3A_77 : vector<16xi32>
    %reduce_min3A_81 = vector.extract %reduce_min3A_80[15] : i32 from vector<16xi32>
    %broadcast_in_dim3A_82 = vector.broadcast %reduce_min3A_81 : i32 to vector<16xi32>
    %gather3A_83 = tpu.vector_load_idx %arg6[%broadcast_in_dim3A_82] : memref<64xi32, #tpu.memory_space<vmem>>[vector<16xi32>], vector<16xi32>,
    %broadcast_in_dim3A_84 = arith.constant 0 : i32
    %broadcast_in_dim3A_85 = vector.broadcast %broadcast_in_dim3A_84 : i32 to vector<16xi32>
    tpu.vector_store_idx %arg9[%broadcast_in_dim3A_85], %gather3A_83 masked %eq3A_8 : memref<8xi32, #tpu.memory_space<vmem>>[vector<16xi32>], vector<16xi32>, vector<16xi1>
    %broadcast_in_dim3A_86 = arith.constant -3.400000e+38 : f32
    %broadcast_in_dim3A_87 = vector.broadcast %broadcast_in_dim3A_86 : f32 to vector<16xf32>
    %broadcast_in_dim3A_88 = arith.constant 0 : i32
    %broadcast_in_dim3A_89 = vector.broadcast %broadcast_in_dim3A_88 : i32 to vector<16xi32>
    %get3A_90 = arith.constant 0 : index
    %get3A_91 = tpu.vector_load %arg6[%get3A_90] {strides = array<i32>} : memref<64xi32, #tpu.memory_space<vmem>>, vector<16xi32>,
    %add3A_92 = arith.constant 100 : i32
    %add3A_93 = vector.broadcast %add3A_92 : i32 to vector<16xi32>
    %add3A_94 = arith.addi %get3A_91, %add3A_93 : vector<16xi32>
    %gather3A_95 = tpu.vector_load_idx %arg8[%add3A_94] : memref<800xf32, #tpu.memory_space<vmem>>[vector<16xi32>], vector<16xf32>,
    %get3A_96 = arith.constant 64 : index
    %get3A_97 = tpu.vector_load %arg7[%get3A_96] {strides = array<i32>} : memref<512xf32, #tpu.memory_space<vmem>>, vector<16xf32>,
    %add3A_98 = arith.addf %gather3A_95, %get3A_97 : vector<16xf32>
    %gt3A_99 = arith.cmpf ogt, %add3A_98, %broadcast_in_dim3A_87 : vector<16xf32>
    %select_n3A_100 = arith.select %gt3A_99, %add3A_98, %broadcast_in_dim3A_87 : vector<16xi1>, vector<16xf32>
    %add3A_101 = arith.constant 0 : i32
    %add3A_102 = vector.broadcast %add3A_101 : i32 to vector<16xi32>
    %add3A_103 = arith.addi %iota3A, %add3A_102 : vector<16xi32>
    %select_n3A_104 = arith.select %gt3A_99, %add3A_103, %broadcast_in_dim3A_89 : vector<16xi1>, vector<16xi32>
    %get3A_105 = arith.constant 16 : index
    %get3A_106 = tpu.vector_load %arg6[%get3A_105] {strides = array<i32>} : memref<64xi32, #tpu.memory_space<vmem>>, vector<16xi32>,
    %add3A_107 = arith.constant 100 : i32
    %add3A_108 = vector.broadcast %add3A_107 : i32 to vector<16xi32>
    %add3A_109 = arith.addi %get3A_106, %add3A_108 : vector<16xi32>
    %gather3A_110 = tpu.vector_load_idx %arg8[%add3A_109] : memref<800xf32, #tpu.memory_space<vmem>>[vector<16xi32>], vector<16xf32>,
    %get3A_111 = arith.constant 80 : index
    %get3A_112 = tpu.vector_load %arg7[%get3A_111] {strides = array<i32>} : memref<512xf32, #tpu.memory_space<vmem>>, vector<16xf32>,
    %add3A_113 = arith.addf %gather3A_110, %get3A_112 : vector<16xf32>
    %gt3A_114 = arith.cmpf ogt, %add3A_113, %select_n3A_100 : vector<16xf32>
    %select_n3A_115 = arith.select %gt3A_114, %add3A_113, %select_n3A_100 : vector<16xi1>, vector<16xf32>
    %add3A_116 = arith.constant 16 : i32
    %add3A_117 = vector.broadcast %add3A_116 : i32 to vector<16xi32>
    %add3A_118 = arith.addi %iota3A, %add3A_117 : vector<16xi32>
    %select_n3A_119 = arith.select %gt3A_114, %add3A_118, %select_n3A_104 : vector<16xi1>, vector<16xi32>
    %get3A_120 = arith.constant 32 : index
    %get3A_121 = tpu.vector_load %arg6[%get3A_120] {strides = array<i32>} : memref<64xi32, #tpu.memory_space<vmem>>, vector<16xi32>,
    %add3A_122 = arith.constant 100 : i32
    %add3A_123 = vector.broadcast %add3A_122 : i32 to vector<16xi32>
    %add3A_124 = arith.addi %get3A_121, %add3A_123 : vector<16xi32>
    %gather3A_125 = tpu.vector_load_idx %arg8[%add3A_124] : memref<800xf32, #tpu.memory_space<vmem>>[vector<16xi32>], vector<16xf32>,
    %get3A_126 = arith.constant 96 : index
    %get3A_127 = tpu.vector_load %arg7[%get3A_126] {strides = array<i32>} : memref<512xf32, #tpu.memory_space<vmem>>, vector<16xf32>,
    %add3A_128 = arith.addf %gather3A_125, %get3A_127 : vector<16xf32>
    %gt3A_129 = arith.cmpf ogt, %add3A_128, %select_n3A_115 : vector<16xf32>
    %select_n3A_130 = arith.select %gt3A_129, %add3A_128, %select_n3A_115 : vector<16xi1>, vector<16xf32>
    %add3A_131 = arith.constant 32 : i32
    %add3A_132 = vector.broadcast %add3A_131 : i32 to vector<16xi32>
    %add3A_133 = arith.addi %iota3A, %add3A_132 : vector<16xi32>
    %select_n3A_134 = arith.select %gt3A_129, %add3A_133, %select_n3A_119 : vector<16xi1>, vector<16xi32>
    %get3A_135 = arith.constant 48 : index
    %get3A_136 = tpu.vector_load %arg6[%get3A_135] {strides = array<i32>} : memref<64xi32, #tpu.memory_space<vmem>>, vector<16xi32>,
    %add3A_137 = arith.constant 100 : i32
    %add3A_138 = vector.broadcast %add3A_137 : i32 to vector<16xi32>
    %add3A_139 = arith.addi %get3A_136, %add3A_138 : vector<16xi32>
    %gather3A_140 = tpu.vector_load_idx %arg8[%add3A_139] : memref<800xf32, #tpu.memory_space<vmem>>[vector<16xi32>], vector<16xf32>,
    %get3A_141 = arith.constant 112 : index
    %get3A_142 = tpu.vector_load %arg7[%get3A_141] {strides = array<i32>} : memref<512xf32, #tpu.memory_space<vmem>>, vector<16xf32>,
    %add3A_143 = arith.addf %gather3A_140, %get3A_142 : vector<16xf32>
    %gt3A_144 = arith.cmpf ogt, %add3A_143, %select_n3A_130 : vector<16xf32>
    %select_n3A_145 = arith.select %gt3A_144, %add3A_143, %select_n3A_130 : vector<16xi1>, vector<16xf32>
    %add3A_146 = arith.constant 48 : i32
    %add3A_147 = vector.broadcast %add3A_146 : i32 to vector<16xi32>
    %add3A_148 = arith.addi %iota3A, %add3A_147 : vector<16xi32>
    %select_n3A_149 = arith.select %gt3A_144, %add3A_148, %select_n3A_134 : vector<16xi1>, vector<16xi32>
    %reduce_max3A_150 = arith.constant true
    %reduce_max3A_151 = vector.broadcast %reduce_max3A_150 : i1 to vector<16xi1>
    %reduce_max3A_152 = tpu.scan <max>, %select_n3A_145 masked %reduce_max3A_151 : vector<16xf32>, vector<16xi1> -> vector<16xf32>
    %reduce_max3A_153 = vector.extract %reduce_max3A_152[15] : f32 from vector<16xf32>
    %eq3A_154 = vector.broadcast %reduce_max3A_153 : f32 to vector<16xf32>
    %eq3A_155 = arith.cmpf oeq, %select_n3A_145, %eq3A_154 : vector<16xf32>
    %jit3A_156 = arith.constant 64 : i32
    %broadcast_in_dim3A_157 = vector.broadcast %jit3A_156 : i32 to vector<16xi32>
    %select_n3A_158 = arith.select %eq3A_155, %select_n3A_149, %broadcast_in_dim3A_157 : vector<16xi1>, vector<16xi32>
    %reduce_min3A_159 = arith.constant true
    %reduce_min3A_160 = vector.broadcast %reduce_min3A_159 : i1 to vector<16xi1>
    %reduce_min3A_161 = arith.constant -2147483648 : i32
    %reduce_min3A_162 = vector.broadcast %reduce_min3A_161 : i32 to vector<16xi32>
    %reduce_min3A_163 = arith.xori %select_n3A_158, %reduce_min3A_162 : vector<16xi32>
    %reduce_min3A_164 = tpu.scan <min>, %reduce_min3A_163 masked %reduce_min3A_160 : vector<16xi32>, vector<16xi1> -> vector<16xi32>
    %reduce_min3A_165 = arith.xori %reduce_min3A_164, %reduce_min3A_162 : vector<16xi32>
    %reduce_min3A_166 = vector.extract %reduce_min3A_165[15] : i32 from vector<16xi32>
    %broadcast_in_dim3A_167 = vector.broadcast %reduce_min3A_166 : i32 to vector<16xi32>
    %gather3A_168 = tpu.vector_load_idx %arg6[%broadcast_in_dim3A_167] : memref<64xi32, #tpu.memory_space<vmem>>[vector<16xi32>], vector<16xi32>,
    %broadcast_in_dim3A_169 = arith.constant 1 : i32
    %broadcast_in_dim3A_170 = vector.broadcast %broadcast_in_dim3A_169 : i32 to vector<16xi32>
    tpu.vector_store_idx %arg9[%broadcast_in_dim3A_170], %gather3A_168 masked %eq3A_8 : memref<8xi32, #tpu.memory_space<vmem>>[vector<16xi32>], vector<16xi32>, vector<16xi1>
    %broadcast_in_dim3A_171 = arith.constant -3.400000e+38 : f32
    %broadcast_in_dim3A_172 = vector.broadcast %broadcast_in_dim3A_171 : f32 to vector<16xf32>
    %broadcast_in_dim3A_173 = arith.constant 0 : i32
    %broadcast_in_dim3A_174 = vector.broadcast %broadcast_in_dim3A_173 : i32 to vector<16xi32>
    %get3A_175 = arith.constant 0 : index
    %get3A_176 = tpu.vector_load %arg6[%get3A_175] {strides = array<i32>} : memref<64xi32, #tpu.memory_space<vmem>>, vector<16xi32>,
    %add3A_177 = arith.constant 200 : i32
    %add3A_178 = vector.broadcast %add3A_177 : i32 to vector<16xi32>
    %add3A_179 = arith.addi %get3A_176, %add3A_178 : vector<16xi32>
    %gather3A_180 = tpu.vector_load_idx %arg8[%add3A_179] : memref<800xf32, #tpu.memory_space<vmem>>[vector<16xi32>], vector<16xf32>,
    %get3A_181 = arith.constant 128 : index
    %get3A_182 = tpu.vector_load %arg7[%get3A_181] {strides = array<i32>} : memref<512xf32, #tpu.memory_space<vmem>>, vector<16xf32>,
    %add3A_183 = arith.addf %gather3A_180, %get3A_182 : vector<16xf32>
    %gt3A_184 = arith.cmpf ogt, %add3A_183, %broadcast_in_dim3A_172 : vector<16xf32>
    %select_n3A_185 = arith.select %gt3A_184, %add3A_183, %broadcast_in_dim3A_172 : vector<16xi1>, vector<16xf32>
    %add3A_186 = arith.constant 0 : i32
    %add3A_187 = vector.broadcast %add3A_186 : i32 to vector<16xi32>
    %add3A_188 = arith.addi %iota3A, %add3A_187 : vector<16xi32>
    %select_n3A_189 = arith.select %gt3A_184, %add3A_188, %broadcast_in_dim3A_174 : vector<16xi1>, vector<16xi32>
    %get3A_190 = arith.constant 16 : index
    %get3A_191 = tpu.vector_load %arg6[%get3A_190] {strides = array<i32>} : memref<64xi32, #tpu.memory_space<vmem>>, vector<16xi32>,
    %add3A_192 = arith.constant 200 : i32
    %add3A_193 = vector.broadcast %add3A_192 : i32 to vector<16xi32>
    %add3A_194 = arith.addi %get3A_191, %add3A_193 : vector<16xi32>
    %gather3A_195 = tpu.vector_load_idx %arg8[%add3A_194] : memref<800xf32, #tpu.memory_space<vmem>>[vector<16xi32>], vector<16xf32>,
    %get3A_196 = arith.constant 144 : index
    %get3A_197 = tpu.vector_load %arg7[%get3A_196] {strides = array<i32>} : memref<512xf32, #tpu.memory_space<vmem>>, vector<16xf32>,
    %add3A_198 = arith.addf %gather3A_195, %get3A_197 : vector<16xf32>
    %gt3A_199 = arith.cmpf ogt, %add3A_198, %select_n3A_185 : vector<16xf32>
    %select_n3A_200 = arith.select %gt3A_199, %add3A_198, %select_n3A_185 : vector<16xi1>, vector<16xf32>
    %add3A_201 = arith.constant 16 : i32
    %add3A_202 = vector.broadcast %add3A_201 : i32 to vector<16xi32>
    %add3A_203 = arith.addi %iota3A, %add3A_202 : vector<16xi32>
    %select_n3A_204 = arith.select %gt3A_199, %add3A_203, %select_n3A_189 : vector<16xi1>, vector<16xi32>
    %get3A_205 = arith.constant 32 : index
    %get3A_206 = tpu.vector_load %arg6[%get3A_205] {strides = array<i32>} : memref<64xi32, #tpu.memory_space<vmem>>, vector<16xi32>,
    %add3A_207 = arith.constant 200 : i32
    %add3A_208 = vector.broadcast %add3A_207 : i32 to vector<16xi32>
    %add3A_209 = arith.addi %get3A_206, %add3A_208 : vector<16xi32>
    %gather3A_210 = tpu.vector_load_idx %arg8[%add3A_209] : memref<800xf32, #tpu.memory_space<vmem>>[vector<16xi32>], vector<16xf32>,
    %get3A_211 = arith.constant 160 : index
    %get3A_212 = tpu.vector_load %arg7[%get3A_211] {strides = array<i32>} : memref<512xf32, #tpu.memory_space<vmem>>, vector<16xf32>,
    %add3A_213 = arith.addf %gather3A_210, %get3A_212 : vector<16xf32>
    %gt3A_214 = arith.cmpf ogt, %add3A_213, %select_n3A_200 : vector<16xf32>
    %select_n3A_215 = arith.select %gt3A_214, %add3A_213, %select_n3A_200 : vector<16xi1>, vector<16xf32>
    %add3A_216 = arith.constant 32 : i32
    %add3A_217 = vector.broadcast %add3A_216 : i32 to vector<16xi32>
    %add3A_218 = arith.addi %iota3A, %add3A_217 : vector<16xi32>
    %select_n3A_219 = arith.select %gt3A_214, %add3A_218, %select_n3A_204 : vector<16xi1>, vector<16xi32>
    %get3A_220 = arith.constant 48 : index
    %get3A_221 = tpu.vector_load %arg6[%get3A_220] {strides = array<i32>} : memref<64xi32, #tpu.memory_space<vmem>>, vector<16xi32>,
    %add3A_222 = arith.constant 200 : i32
    %add3A_223 = vector.broadcast %add3A_222 : i32 to vector<16xi32>
    %add3A_224 = arith.addi %get3A_221, %add3A_223 : vector<16xi32>
    %gather3A_225 = tpu.vector_load_idx %arg8[%add3A_224] : memref<800xf32, #tpu.memory_space<vmem>>[vector<16xi32>], vector<16xf32>,
    %get3A_226 = arith.constant 176 : index
    %get3A_227 = tpu.vector_load %arg7[%get3A_226] {strides = array<i32>} : memref<512xf32, #tpu.memory_space<vmem>>, vector<16xf32>,
    %add3A_228 = arith.addf %gather3A_225, %get3A_227 : vector<16xf32>
    %gt3A_229 = arith.cmpf ogt, %add3A_228, %select_n3A_215 : vector<16xf32>
    %select_n3A_230 = arith.select %gt3A_229, %add3A_228, %select_n3A_215 : vector<16xi1>, vector<16xf32>
    %add3A_231 = arith.constant 48 : i32
    %add3A_232 = vector.broadcast %add3A_231 : i32 to vector<16xi32>
    %add3A_233 = arith.addi %iota3A, %add3A_232 : vector<16xi32>
    %select_n3A_234 = arith.select %gt3A_229, %add3A_233, %select_n3A_219 : vector<16xi1>, vector<16xi32>
    %reduce_max3A_235 = arith.constant true
    %reduce_max3A_236 = vector.broadcast %reduce_max3A_235 : i1 to vector<16xi1>
    %reduce_max3A_237 = tpu.scan <max>, %select_n3A_230 masked %reduce_max3A_236 : vector<16xf32>, vector<16xi1> -> vector<16xf32>
    %reduce_max3A_238 = vector.extract %reduce_max3A_237[15] : f32 from vector<16xf32>
    %eq3A_239 = vector.broadcast %reduce_max3A_238 : f32 to vector<16xf32>
    %eq3A_240 = arith.cmpf oeq, %select_n3A_230, %eq3A_239 : vector<16xf32>
    %jit3A_241 = arith.constant 64 : i32
    %broadcast_in_dim3A_242 = vector.broadcast %jit3A_241 : i32 to vector<16xi32>
    %select_n3A_243 = arith.select %eq3A_240, %select_n3A_234, %broadcast_in_dim3A_242 : vector<16xi1>, vector<16xi32>
    %reduce_min3A_244 = arith.constant true
    %reduce_min3A_245 = vector.broadcast %reduce_min3A_244 : i1 to vector<16xi1>
    %reduce_min3A_246 = arith.constant -2147483648 : i32
    %reduce_min3A_247 = vector.broadcast %reduce_min3A_246 : i32 to vector<16xi32>
    %reduce_min3A_248 = arith.xori %select_n3A_243, %reduce_min3A_247 : vector<16xi32>
    %reduce_min3A_249 = tpu.scan <min>, %reduce_min3A_248 masked %reduce_min3A_245 : vector<16xi32>, vector<16xi1> -> vector<16xi32>
    %reduce_min3A_250 = arith.xori %reduce_min3A_249, %reduce_min3A_247 : vector<16xi32>
    %reduce_min3A_251 = vector.extract %reduce_min3A_250[15] : i32 from vector<16xi32>
    %broadcast_in_dim3A_252 = vector.broadcast %reduce_min3A_251 : i32 to vector<16xi32>
    %gather3A_253 = tpu.vector_load_idx %arg6[%broadcast_in_dim3A_252] : memref<64xi32, #tpu.memory_space<vmem>>[vector<16xi32>], vector<16xi32>,
    %broadcast_in_dim3A_254 = arith.constant 2 : i32
    %broadcast_in_dim3A_255 = vector.broadcast %broadcast_in_dim3A_254 : i32 to vector<16xi32>
    tpu.vector_store_idx %arg9[%broadcast_in_dim3A_255], %gather3A_253 masked %eq3A_8 : memref<8xi32, #tpu.memory_space<vmem>>[vector<16xi32>], vector<16xi32>, vector<16xi1>
    %broadcast_in_dim3A_256 = arith.constant -3.400000e+38 : f32
    %broadcast_in_dim3A_257 = vector.broadcast %broadcast_in_dim3A_256 : f32 to vector<16xf32>
    %broadcast_in_dim3A_258 = arith.constant 0 : i32
    %broadcast_in_dim3A_259 = vector.broadcast %broadcast_in_dim3A_258 : i32 to vector<16xi32>
    %get3A_260 = arith.constant 0 : index
    %get3A_261 = tpu.vector_load %arg6[%get3A_260] {strides = array<i32>} : memref<64xi32, #tpu.memory_space<vmem>>, vector<16xi32>,
    %add3A_262 = arith.constant 300 : i32
    %add3A_263 = vector.broadcast %add3A_262 : i32 to vector<16xi32>
    %add3A_264 = arith.addi %get3A_261, %add3A_263 : vector<16xi32>
    %gather3A_265 = tpu.vector_load_idx %arg8[%add3A_264] : memref<800xf32, #tpu.memory_space<vmem>>[vector<16xi32>], vector<16xf32>,
    %get3A_266 = arith.constant 192 : index
    %get3A_267 = tpu.vector_load %arg7[%get3A_266] {strides = array<i32>} : memref<512xf32, #tpu.memory_space<vmem>>, vector<16xf32>,
    %add3A_268 = arith.addf %gather3A_265, %get3A_267 : vector<16xf32>
    %gt3A_269 = arith.cmpf ogt, %add3A_268, %broadcast_in_dim3A_257 : vector<16xf32>
    %select_n3A_270 = arith.select %gt3A_269, %add3A_268, %broadcast_in_dim3A_257 : vector<16xi1>, vector<16xf32>
    %add3A_271 = arith.constant 0 : i32
    %add3A_272 = vector.broadcast %add3A_271 : i32 to vector<16xi32>
    %add3A_273 = arith.addi %iota3A, %add3A_272 : vector<16xi32>
    %select_n3A_274 = arith.select %gt3A_269, %add3A_273, %broadcast_in_dim3A_259 : vector<16xi1>, vector<16xi32>
    %get3A_275 = arith.constant 16 : index
    %get3A_276 = tpu.vector_load %arg6[%get3A_275] {strides = array<i32>} : memref<64xi32, #tpu.memory_space<vmem>>, vector<16xi32>,
    %add3A_277 = arith.constant 300 : i32
    %add3A_278 = vector.broadcast %add3A_277 : i32 to vector<16xi32>
    %add3A_279 = arith.addi %get3A_276, %add3A_278 : vector<16xi32>
    %gather3A_280 = tpu.vector_load_idx %arg8[%add3A_279] : memref<800xf32, #tpu.memory_space<vmem>>[vector<16xi32>], vector<16xf32>,
    %get3A_281 = arith.constant 208 : index
    %get3A_282 = tpu.vector_load %arg7[%get3A_281] {strides = array<i32>} : memref<512xf32, #tpu.memory_space<vmem>>, vector<16xf32>,
    %add3A_283 = arith.addf %gather3A_280, %get3A_282 : vector<16xf32>
    %gt3A_284 = arith.cmpf ogt, %add3A_283, %select_n3A_270 : vector<16xf32>
    %select_n3A_285 = arith.select %gt3A_284, %add3A_283, %select_n3A_270 : vector<16xi1>, vector<16xf32>
    %add3A_286 = arith.constant 16 : i32
    %add3A_287 = vector.broadcast %add3A_286 : i32 to vector<16xi32>
    %add3A_288 = arith.addi %iota3A, %add3A_287 : vector<16xi32>
    %select_n3A_289 = arith.select %gt3A_284, %add3A_288, %select_n3A_274 : vector<16xi1>, vector<16xi32>
    %get3A_290 = arith.constant 32 : index
    %get3A_291 = tpu.vector_load %arg6[%get3A_290] {strides = array<i32>} : memref<64xi32, #tpu.memory_space<vmem>>, vector<16xi32>,
    %add3A_292 = arith.constant 300 : i32
    %add3A_293 = vector.broadcast %add3A_292 : i32 to vector<16xi32>
    %add3A_294 = arith.addi %get3A_291, %add3A_293 : vector<16xi32>
    %gather3A_295 = tpu.vector_load_idx %arg8[%add3A_294] : memref<800xf32, #tpu.memory_space<vmem>>[vector<16xi32>], vector<16xf32>,
    %get3A_296 = arith.constant 224 : index
    %get3A_297 = tpu.vector_load %arg7[%get3A_296] {strides = array<i32>} : memref<512xf32, #tpu.memory_space<vmem>>, vector<16xf32>,
    %add3A_298 = arith.addf %gather3A_295, %get3A_297 : vector<16xf32>
    %gt3A_299 = arith.cmpf ogt, %add3A_298, %select_n3A_285 : vector<16xf32>
    %select_n3A_300 = arith.select %gt3A_299, %add3A_298, %select_n3A_285 : vector<16xi1>, vector<16xf32>
    %add3A_301 = arith.constant 32 : i32
    %add3A_302 = vector.broadcast %add3A_301 : i32 to vector<16xi32>
    %add3A_303 = arith.addi %iota3A, %add3A_302 : vector<16xi32>
    %select_n3A_304 = arith.select %gt3A_299, %add3A_303, %select_n3A_289 : vector<16xi1>, vector<16xi32>
    %get3A_305 = arith.constant 48 : index
    %get3A_306 = tpu.vector_load %arg6[%get3A_305] {strides = array<i32>} : memref<64xi32, #tpu.memory_space<vmem>>, vector<16xi32>,
    %add3A_307 = arith.constant 300 : i32
    %add3A_308 = vector.broadcast %add3A_307 : i32 to vector<16xi32>
    %add3A_309 = arith.addi %get3A_306, %add3A_308 : vector<16xi32>
    %gather3A_310 = tpu.vector_load_idx %arg8[%add3A_309] : memref<800xf32, #tpu.memory_space<vmem>>[vector<16xi32>], vector<16xf32>,
    %get3A_311 = arith.constant 240 : index
    %get3A_312 = tpu.vector_load %arg7[%get3A_311] {strides = array<i32>} : memref<512xf32, #tpu.memory_space<vmem>>, vector<16xf32>,
    %add3A_313 = arith.addf %gather3A_310, %get3A_312 : vector<16xf32>
    %gt3A_314 = arith.cmpf ogt, %add3A_313, %select_n3A_300 : vector<16xf32>
    %select_n3A_315 = arith.select %gt3A_314, %add3A_313, %select_n3A_300 : vector<16xi1>, vector<16xf32>
    %add3A_316 = arith.constant 48 : i32
    %add3A_317 = vector.broadcast %add3A_316 : i32 to vector<16xi32>
    %add3A_318 = arith.addi %iota3A, %add3A_317 : vector<16xi32>
    %select_n3A_319 = arith.select %gt3A_314, %add3A_318, %select_n3A_304 : vector<16xi1>, vector<16xi32>
    %reduce_max3A_320 = arith.constant true
    %reduce_max3A_321 = vector.broadcast %reduce_max3A_320 : i1 to vector<16xi1>
    %reduce_max3A_322 = tpu.scan <max>, %select_n3A_315 masked %reduce_max3A_321 : vector<16xf32>, vector<16xi1> -> vector<16xf32>
    %reduce_max3A_323 = vector.extract %reduce_max3A_322[15] : f32 from vector<16xf32>
    %eq3A_324 = vector.broadcast %reduce_max3A_323 : f32 to vector<16xf32>
    %eq3A_325 = arith.cmpf oeq, %select_n3A_315, %eq3A_324 : vector<16xf32>
    %jit3A_326 = arith.constant 64 : i32
    %broadcast_in_dim3A_327 = vector.broadcast %jit3A_326 : i32 to vector<16xi32>
    %select_n3A_328 = arith.select %eq3A_325, %select_n3A_319, %broadcast_in_dim3A_327 : vector<16xi1>, vector<16xi32>
    %reduce_min3A_329 = arith.constant true
    %reduce_min3A_330 = vector.broadcast %reduce_min3A_329 : i1 to vector<16xi1>
    %reduce_min3A_331 = arith.constant -2147483648 : i32
    %reduce_min3A_332 = vector.broadcast %reduce_min3A_331 : i32 to vector<16xi32>
    %reduce_min3A_333 = arith.xori %select_n3A_328, %reduce_min3A_332 : vector<16xi32>
    %reduce_min3A_334 = tpu.scan <min>, %reduce_min3A_333 masked %reduce_min3A_330 : vector<16xi32>, vector<16xi1> -> vector<16xi32>
    %reduce_min3A_335 = arith.xori %reduce_min3A_334, %reduce_min3A_332 : vector<16xi32>
    %reduce_min3A_336 = vector.extract %reduce_min3A_335[15] : i32 from vector<16xi32>
    %broadcast_in_dim3A_337 = vector.broadcast %reduce_min3A_336 : i32 to vector<16xi32>
    %gather3A_338 = tpu.vector_load_idx %arg6[%broadcast_in_dim3A_337] : memref<64xi32, #tpu.memory_space<vmem>>[vector<16xi32>], vector<16xi32>,
    %broadcast_in_dim3A_339 = arith.constant 3 : i32
    %broadcast_in_dim3A_340 = vector.broadcast %broadcast_in_dim3A_339 : i32 to vector<16xi32>
    tpu.vector_store_idx %arg9[%broadcast_in_dim3A_340], %gather3A_338 masked %eq3A_8 : memref<8xi32, #tpu.memory_space<vmem>>[vector<16xi32>], vector<16xi32>, vector<16xi1>
    %broadcast_in_dim3A_341 = arith.constant -3.400000e+38 : f32
    %broadcast_in_dim3A_342 = vector.broadcast %broadcast_in_dim3A_341 : f32 to vector<16xf32>
    %broadcast_in_dim3A_343 = arith.constant 0 : i32
    %broadcast_in_dim3A_344 = vector.broadcast %broadcast_in_dim3A_343 : i32 to vector<16xi32>
    %get3A_345 = arith.constant 0 : index
    %get3A_346 = tpu.vector_load %arg6[%get3A_345] {strides = array<i32>} : memref<64xi32, #tpu.memory_space<vmem>>, vector<16xi32>,
    %add3A_347 = arith.constant 400 : i32
    %add3A_348 = vector.broadcast %add3A_347 : i32 to vector<16xi32>
    %add3A_349 = arith.addi %get3A_346, %add3A_348 : vector<16xi32>
    %gather3A_350 = tpu.vector_load_idx %arg8[%add3A_349] : memref<800xf32, #tpu.memory_space<vmem>>[vector<16xi32>], vector<16xf32>,
    %get3A_351 = arith.constant 256 : index
    %get3A_352 = tpu.vector_load %arg7[%get3A_351] {strides = array<i32>} : memref<512xf32, #tpu.memory_space<vmem>>, vector<16xf32>,
    %add3A_353 = arith.addf %gather3A_350, %get3A_352 : vector<16xf32>
    %gt3A_354 = arith.cmpf ogt, %add3A_353, %broadcast_in_dim3A_342 : vector<16xf32>
    %select_n3A_355 = arith.select %gt3A_354, %add3A_353, %broadcast_in_dim3A_342 : vector<16xi1>, vector<16xf32>
    %add3A_356 = arith.constant 0 : i32
    %add3A_357 = vector.broadcast %add3A_356 : i32 to vector<16xi32>
    %add3A_358 = arith.addi %iota3A, %add3A_357 : vector<16xi32>
    %select_n3A_359 = arith.select %gt3A_354, %add3A_358, %broadcast_in_dim3A_344 : vector<16xi1>, vector<16xi32>
    %get3A_360 = arith.constant 16 : index
    %get3A_361 = tpu.vector_load %arg6[%get3A_360] {strides = array<i32>} : memref<64xi32, #tpu.memory_space<vmem>>, vector<16xi32>,
    %add3A_362 = arith.constant 400 : i32
    %add3A_363 = vector.broadcast %add3A_362 : i32 to vector<16xi32>
    %add3A_364 = arith.addi %get3A_361, %add3A_363 : vector<16xi32>
    %gather3A_365 = tpu.vector_load_idx %arg8[%add3A_364] : memref<800xf32, #tpu.memory_space<vmem>>[vector<16xi32>], vector<16xf32>,
    %get3A_366 = arith.constant 272 : index
    %get3A_367 = tpu.vector_load %arg7[%get3A_366] {strides = array<i32>} : memref<512xf32, #tpu.memory_space<vmem>>, vector<16xf32>,
    %add3A_368 = arith.addf %gather3A_365, %get3A_367 : vector<16xf32>
    %gt3A_369 = arith.cmpf ogt, %add3A_368, %select_n3A_355 : vector<16xf32>
    %select_n3A_370 = arith.select %gt3A_369, %add3A_368, %select_n3A_355 : vector<16xi1>, vector<16xf32>
    %add3A_371 = arith.constant 16 : i32
    %add3A_372 = vector.broadcast %add3A_371 : i32 to vector<16xi32>
    %add3A_373 = arith.addi %iota3A, %add3A_372 : vector<16xi32>
    %select_n3A_374 = arith.select %gt3A_369, %add3A_373, %select_n3A_359 : vector<16xi1>, vector<16xi32>
    %get3A_375 = arith.constant 32 : index
    %get3A_376 = tpu.vector_load %arg6[%get3A_375] {strides = array<i32>} : memref<64xi32, #tpu.memory_space<vmem>>, vector<16xi32>,
    %add3A_377 = arith.constant 400 : i32
    %add3A_378 = vector.broadcast %add3A_377 : i32 to vector<16xi32>
    %add3A_379 = arith.addi %get3A_376, %add3A_378 : vector<16xi32>
    %gather3A_380 = tpu.vector_load_idx %arg8[%add3A_379] : memref<800xf32, #tpu.memory_space<vmem>>[vector<16xi32>], vector<16xf32>,
    %get3A_381 = arith.constant 288 : index
    %get3A_382 = tpu.vector_load %arg7[%get3A_381] {strides = array<i32>} : memref<512xf32, #tpu.memory_space<vmem>>, vector<16xf32>,
    %add3A_383 = arith.addf %gather3A_380, %get3A_382 : vector<16xf32>
    %gt3A_384 = arith.cmpf ogt, %add3A_383, %select_n3A_370 : vector<16xf32>
    %select_n3A_385 = arith.select %gt3A_384, %add3A_383, %select_n3A_370 : vector<16xi1>, vector<16xf32>
    %add3A_386 = arith.constant 32 : i32
    %add3A_387 = vector.broadcast %add3A_386 : i32 to vector<16xi32>
    %add3A_388 = arith.addi %iota3A, %add3A_387 : vector<16xi32>
    %select_n3A_389 = arith.select %gt3A_384, %add3A_388, %select_n3A_374 : vector<16xi1>, vector<16xi32>
    %get3A_390 = arith.constant 48 : index
    %get3A_391 = tpu.vector_load %arg6[%get3A_390] {strides = array<i32>} : memref<64xi32, #tpu.memory_space<vmem>>, vector<16xi32>,
    %add3A_392 = arith.constant 400 : i32
    %add3A_393 = vector.broadcast %add3A_392 : i32 to vector<16xi32>
    %add3A_394 = arith.addi %get3A_391, %add3A_393 : vector<16xi32>
    %gather3A_395 = tpu.vector_load_idx %arg8[%add3A_394] : memref<800xf32, #tpu.memory_space<vmem>>[vector<16xi32>], vector<16xf32>,
    %get3A_396 = arith.constant 304 : index
    %get3A_397 = tpu.vector_load %arg7[%get3A_396] {strides = array<i32>} : memref<512xf32, #tpu.memory_space<vmem>>, vector<16xf32>,
    %add3A_398 = arith.addf %gather3A_395, %get3A_397 : vector<16xf32>
    %gt3A_399 = arith.cmpf ogt, %add3A_398, %select_n3A_385 : vector<16xf32>
    %select_n3A_400 = arith.select %gt3A_399, %add3A_398, %select_n3A_385 : vector<16xi1>, vector<16xf32>
    %add3A_401 = arith.constant 48 : i32
    %add3A_402 = vector.broadcast %add3A_401 : i32 to vector<16xi32>
    %add3A_403 = arith.addi %iota3A, %add3A_402 : vector<16xi32>
    %select_n3A_404 = arith.select %gt3A_399, %add3A_403, %select_n3A_389 : vector<16xi1>, vector<16xi32>
    %reduce_max3A_405 = arith.constant true
    %reduce_max3A_406 = vector.broadcast %reduce_max3A_405 : i1 to vector<16xi1>
    %reduce_max3A_407 = tpu.scan <max>, %select_n3A_400 masked %reduce_max3A_406 : vector<16xf32>, vector<16xi1> -> vector<16xf32>
    %reduce_max3A_408 = vector.extract %reduce_max3A_407[15] : f32 from vector<16xf32>
    %eq3A_409 = vector.broadcast %reduce_max3A_408 : f32 to vector<16xf32>
    %eq3A_410 = arith.cmpf oeq, %select_n3A_400, %eq3A_409 : vector<16xf32>
    %jit3A_411 = arith.constant 64 : i32
    %broadcast_in_dim3A_412 = vector.broadcast %jit3A_411 : i32 to vector<16xi32>
    %select_n3A_413 = arith.select %eq3A_410, %select_n3A_404, %broadcast_in_dim3A_412 : vector<16xi1>, vector<16xi32>
    %reduce_min3A_414 = arith.constant true
    %reduce_min3A_415 = vector.broadcast %reduce_min3A_414 : i1 to vector<16xi1>
    %reduce_min3A_416 = arith.constant -2147483648 : i32
    %reduce_min3A_417 = vector.broadcast %reduce_min3A_416 : i32 to vector<16xi32>
    %reduce_min3A_418 = arith.xori %select_n3A_413, %reduce_min3A_417 : vector<16xi32>
    %reduce_min3A_419 = tpu.scan <min>, %reduce_min3A_418 masked %reduce_min3A_415 : vector<16xi32>, vector<16xi1> -> vector<16xi32>
    %reduce_min3A_420 = arith.xori %reduce_min3A_419, %reduce_min3A_417 : vector<16xi32>
    %reduce_min3A_421 = vector.extract %reduce_min3A_420[15] : i32 from vector<16xi32>
    %broadcast_in_dim3A_422 = vector.broadcast %reduce_min3A_421 : i32 to vector<16xi32>
    %gather3A_423 = tpu.vector_load_idx %arg6[%broadcast_in_dim3A_422] : memref<64xi32, #tpu.memory_space<vmem>>[vector<16xi32>], vector<16xi32>,
    %broadcast_in_dim3A_424 = arith.constant 4 : i32
    %broadcast_in_dim3A_425 = vector.broadcast %broadcast_in_dim3A_424 : i32 to vector<16xi32>
    tpu.vector_store_idx %arg9[%broadcast_in_dim3A_425], %gather3A_423 masked %eq3A_8 : memref<8xi32, #tpu.memory_space<vmem>>[vector<16xi32>], vector<16xi32>, vector<16xi1>
    %broadcast_in_dim3A_426 = arith.constant -3.400000e+38 : f32
    %broadcast_in_dim3A_427 = vector.broadcast %broadcast_in_dim3A_426 : f32 to vector<16xf32>
    %broadcast_in_dim3A_428 = arith.constant 0 : i32
    %broadcast_in_dim3A_429 = vector.broadcast %broadcast_in_dim3A_428 : i32 to vector<16xi32>
    %get3A_430 = arith.constant 0 : index
    %get3A_431 = tpu.vector_load %arg6[%get3A_430] {strides = array<i32>} : memref<64xi32, #tpu.memory_space<vmem>>, vector<16xi32>,
    %add3A_432 = arith.constant 500 : i32
    %add3A_433 = vector.broadcast %add3A_432 : i32 to vector<16xi32>
    %add3A_434 = arith.addi %get3A_431, %add3A_433 : vector<16xi32>
    %gather3A_435 = tpu.vector_load_idx %arg8[%add3A_434] : memref<800xf32, #tpu.memory_space<vmem>>[vector<16xi32>], vector<16xf32>,
    %get3A_436 = arith.constant 320 : index
    %get3A_437 = tpu.vector_load %arg7[%get3A_436] {strides = array<i32>} : memref<512xf32, #tpu.memory_space<vmem>>, vector<16xf32>,
    %add3A_438 = arith.addf %gather3A_435, %get3A_437 : vector<16xf32>
    %gt3A_439 = arith.cmpf ogt, %add3A_438, %broadcast_in_dim3A_427 : vector<16xf32>
    %select_n3A_440 = arith.select %gt3A_439, %add3A_438, %broadcast_in_dim3A_427 : vector<16xi1>, vector<16xf32>
    %add3A_441 = arith.constant 0 : i32
    %add3A_442 = vector.broadcast %add3A_441 : i32 to vector<16xi32>
    %add3A_443 = arith.addi %iota3A, %add3A_442 : vector<16xi32>
    %select_n3A_444 = arith.select %gt3A_439, %add3A_443, %broadcast_in_dim3A_429 : vector<16xi1>, vector<16xi32>
    %get3A_445 = arith.constant 16 : index
    %get3A_446 = tpu.vector_load %arg6[%get3A_445] {strides = array<i32>} : memref<64xi32, #tpu.memory_space<vmem>>, vector<16xi32>,
    %add3A_447 = arith.constant 500 : i32
    %add3A_448 = vector.broadcast %add3A_447 : i32 to vector<16xi32>
    %add3A_449 = arith.addi %get3A_446, %add3A_448 : vector<16xi32>
    %gather3A_450 = tpu.vector_load_idx %arg8[%add3A_449] : memref<800xf32, #tpu.memory_space<vmem>>[vector<16xi32>], vector<16xf32>,
    %get3A_451 = arith.constant 336 : index
    %get3A_452 = tpu.vector_load %arg7[%get3A_451] {strides = array<i32>} : memref<512xf32, #tpu.memory_space<vmem>>, vector<16xf32>,
    %add3A_453 = arith.addf %gather3A_450, %get3A_452 : vector<16xf32>
    %gt3A_454 = arith.cmpf ogt, %add3A_453, %select_n3A_440 : vector<16xf32>
    %select_n3A_455 = arith.select %gt3A_454, %add3A_453, %select_n3A_440 : vector<16xi1>, vector<16xf32>
    %add3A_456 = arith.constant 16 : i32
    %add3A_457 = vector.broadcast %add3A_456 : i32 to vector<16xi32>
    %add3A_458 = arith.addi %iota3A, %add3A_457 : vector<16xi32>
    %select_n3A_459 = arith.select %gt3A_454, %add3A_458, %select_n3A_444 : vector<16xi1>, vector<16xi32>
    %get3A_460 = arith.constant 32 : index
    %get3A_461 = tpu.vector_load %arg6[%get3A_460] {strides = array<i32>} : memref<64xi32, #tpu.memory_space<vmem>>, vector<16xi32>,
    %add3A_462 = arith.constant 500 : i32
    %add3A_463 = vector.broadcast %add3A_462 : i32 to vector<16xi32>
    %add3A_464 = arith.addi %get3A_461, %add3A_463 : vector<16xi32>
    %gather3A_465 = tpu.vector_load_idx %arg8[%add3A_464] : memref<800xf32, #tpu.memory_space<vmem>>[vector<16xi32>], vector<16xf32>,
    %get3A_466 = arith.constant 352 : index
    %get3A_467 = tpu.vector_load %arg7[%get3A_466] {strides = array<i32>} : memref<512xf32, #tpu.memory_space<vmem>>, vector<16xf32>,
    %add3A_468 = arith.addf %gather3A_465, %get3A_467 : vector<16xf32>
    %gt3A_469 = arith.cmpf ogt, %add3A_468, %select_n3A_455 : vector<16xf32>
    %select_n3A_470 = arith.select %gt3A_469, %add3A_468, %select_n3A_455 : vector<16xi1>, vector<16xf32>
    %add3A_471 = arith.constant 32 : i32
    %add3A_472 = vector.broadcast %add3A_471 : i32 to vector<16xi32>
    %add3A_473 = arith.addi %iota3A, %add3A_472 : vector<16xi32>
    %select_n3A_474 = arith.select %gt3A_469, %add3A_473, %select_n3A_459 : vector<16xi1>, vector<16xi32>
    %get3A_475 = arith.constant 48 : index
    %get3A_476 = tpu.vector_load %arg6[%get3A_475] {strides = array<i32>} : memref<64xi32, #tpu.memory_space<vmem>>, vector<16xi32>,
    %add3A_477 = arith.constant 500 : i32
    %add3A_478 = vector.broadcast %add3A_477 : i32 to vector<16xi32>
    %add3A_479 = arith.addi %get3A_476, %add3A_478 : vector<16xi32>
    %gather3A_480 = tpu.vector_load_idx %arg8[%add3A_479] : memref<800xf32, #tpu.memory_space<vmem>>[vector<16xi32>], vector<16xf32>,
    %get3A_481 = arith.constant 368 : index
    %get3A_482 = tpu.vector_load %arg7[%get3A_481] {strides = array<i32>} : memref<512xf32, #tpu.memory_space<vmem>>, vector<16xf32>,
    %add3A_483 = arith.addf %gather3A_480, %get3A_482 : vector<16xf32>
    %gt3A_484 = arith.cmpf ogt, %add3A_483, %select_n3A_470 : vector<16xf32>
    %select_n3A_485 = arith.select %gt3A_484, %add3A_483, %select_n3A_470 : vector<16xi1>, vector<16xf32>
    %add3A_486 = arith.constant 48 : i32
    %add3A_487 = vector.broadcast %add3A_486 : i32 to vector<16xi32>
    %add3A_488 = arith.addi %iota3A, %add3A_487 : vector<16xi32>
    %select_n3A_489 = arith.select %gt3A_484, %add3A_488, %select_n3A_474 : vector<16xi1>, vector<16xi32>
    %reduce_max3A_490 = arith.constant true
    %reduce_max3A_491 = vector.broadcast %reduce_max3A_490 : i1 to vector<16xi1>
    %reduce_max3A_492 = tpu.scan <max>, %select_n3A_485 masked %reduce_max3A_491 : vector<16xf32>, vector<16xi1> -> vector<16xf32>
    %reduce_max3A_493 = vector.extract %reduce_max3A_492[15] : f32 from vector<16xf32>
    %eq3A_494 = vector.broadcast %reduce_max3A_493 : f32 to vector<16xf32>
    %eq3A_495 = arith.cmpf oeq, %select_n3A_485, %eq3A_494 : vector<16xf32>
    %jit3A_496 = arith.constant 64 : i32
    %broadcast_in_dim3A_497 = vector.broadcast %jit3A_496 : i32 to vector<16xi32>
    %select_n3A_498 = arith.select %eq3A_495, %select_n3A_489, %broadcast_in_dim3A_497 : vector<16xi1>, vector<16xi32>
    %reduce_min3A_499 = arith.constant true
    %reduce_min3A_500 = vector.broadcast %reduce_min3A_499 : i1 to vector<16xi1>
    %reduce_min3A_501 = arith.constant -2147483648 : i32
    %reduce_min3A_502 = vector.broadcast %reduce_min3A_501 : i32 to vector<16xi32>
    %reduce_min3A_503 = arith.xori %select_n3A_498, %reduce_min3A_502 : vector<16xi32>
    %reduce_min3A_504 = tpu.scan <min>, %reduce_min3A_503 masked %reduce_min3A_500 : vector<16xi32>, vector<16xi1> -> vector<16xi32>
    %reduce_min3A_505 = arith.xori %reduce_min3A_504, %reduce_min3A_502 : vector<16xi32>
    %reduce_min3A_506 = vector.extract %reduce_min3A_505[15] : i32 from vector<16xi32>
    %broadcast_in_dim3A_507 = vector.broadcast %reduce_min3A_506 : i32 to vector<16xi32>
    %gather3A_508 = tpu.vector_load_idx %arg6[%broadcast_in_dim3A_507] : memref<64xi32, #tpu.memory_space<vmem>>[vector<16xi32>], vector<16xi32>,
    %broadcast_in_dim3A_509 = arith.constant 5 : i32
    %broadcast_in_dim3A_510 = vector.broadcast %broadcast_in_dim3A_509 : i32 to vector<16xi32>
    tpu.vector_store_idx %arg9[%broadcast_in_dim3A_510], %gather3A_508 masked %eq3A_8 : memref<8xi32, #tpu.memory_space<vmem>>[vector<16xi32>], vector<16xi32>, vector<16xi1>
    %broadcast_in_dim3A_511 = arith.constant -3.400000e+38 : f32
    %broadcast_in_dim3A_512 = vector.broadcast %broadcast_in_dim3A_511 : f32 to vector<16xf32>
    %broadcast_in_dim3A_513 = arith.constant 0 : i32
    %broadcast_in_dim3A_514 = vector.broadcast %broadcast_in_dim3A_513 : i32 to vector<16xi32>
    %get3A_515 = arith.constant 0 : index
    %get3A_516 = tpu.vector_load %arg6[%get3A_515] {strides = array<i32>} : memref<64xi32, #tpu.memory_space<vmem>>, vector<16xi32>,
    %add3A_517 = arith.constant 600 : i32
    %add3A_518 = vector.broadcast %add3A_517 : i32 to vector<16xi32>
    %add3A_519 = arith.addi %get3A_516, %add3A_518 : vector<16xi32>
    %gather3A_520 = tpu.vector_load_idx %arg8[%add3A_519] : memref<800xf32, #tpu.memory_space<vmem>>[vector<16xi32>], vector<16xf32>,
    %get3A_521 = arith.constant 384 : index
    %get3A_522 = tpu.vector_load %arg7[%get3A_521] {strides = array<i32>} : memref<512xf32, #tpu.memory_space<vmem>>, vector<16xf32>,
    %add3A_523 = arith.addf %gather3A_520, %get3A_522 : vector<16xf32>
    %gt3A_524 = arith.cmpf ogt, %add3A_523, %broadcast_in_dim3A_512 : vector<16xf32>
    %select_n3A_525 = arith.select %gt3A_524, %add3A_523, %broadcast_in_dim3A_512 : vector<16xi1>, vector<16xf32>
    %add3A_526 = arith.constant 0 : i32
    %add3A_527 = vector.broadcast %add3A_526 : i32 to vector<16xi32>
    %add3A_528 = arith.addi %iota3A, %add3A_527 : vector<16xi32>
    %select_n3A_529 = arith.select %gt3A_524, %add3A_528, %broadcast_in_dim3A_514 : vector<16xi1>, vector<16xi32>
    %get3A_530 = arith.constant 16 : index
    %get3A_531 = tpu.vector_load %arg6[%get3A_530] {strides = array<i32>} : memref<64xi32, #tpu.memory_space<vmem>>, vector<16xi32>,
    %add3A_532 = arith.constant 600 : i32
    %add3A_533 = vector.broadcast %add3A_532 : i32 to vector<16xi32>
    %add3A_534 = arith.addi %get3A_531, %add3A_533 : vector<16xi32>
    %gather3A_535 = tpu.vector_load_idx %arg8[%add3A_534] : memref<800xf32, #tpu.memory_space<vmem>>[vector<16xi32>], vector<16xf32>,
    %get3A_536 = arith.constant 400 : index
    %get3A_537 = tpu.vector_load %arg7[%get3A_536] {strides = array<i32>} : memref<512xf32, #tpu.memory_space<vmem>>, vector<16xf32>,
    %add3A_538 = arith.addf %gather3A_535, %get3A_537 : vector<16xf32>
    %gt3A_539 = arith.cmpf ogt, %add3A_538, %select_n3A_525 : vector<16xf32>
    %select_n3A_540 = arith.select %gt3A_539, %add3A_538, %select_n3A_525 : vector<16xi1>, vector<16xf32>
    %add3A_541 = arith.constant 16 : i32
    %add3A_542 = vector.broadcast %add3A_541 : i32 to vector<16xi32>
    %add3A_543 = arith.addi %iota3A, %add3A_542 : vector<16xi32>
    %select_n3A_544 = arith.select %gt3A_539, %add3A_543, %select_n3A_529 : vector<16xi1>, vector<16xi32>
    %get3A_545 = arith.constant 32 : index
    %get3A_546 = tpu.vector_load %arg6[%get3A_545] {strides = array<i32>} : memref<64xi32, #tpu.memory_space<vmem>>, vector<16xi32>,
    %add3A_547 = arith.constant 600 : i32
    %add3A_548 = vector.broadcast %add3A_547 : i32 to vector<16xi32>
    %add3A_549 = arith.addi %get3A_546, %add3A_548 : vector<16xi32>
    %gather3A_550 = tpu.vector_load_idx %arg8[%add3A_549] : memref<800xf32, #tpu.memory_space<vmem>>[vector<16xi32>], vector<16xf32>,
    %get3A_551 = arith.constant 416 : index
    %get3A_552 = tpu.vector_load %arg7[%get3A_551] {strides = array<i32>} : memref<512xf32, #tpu.memory_space<vmem>>, vector<16xf32>,
    %add3A_553 = arith.addf %gather3A_550, %get3A_552 : vector<16xf32>
    %gt3A_554 = arith.cmpf ogt, %add3A_553, %select_n3A_540 : vector<16xf32>
    %select_n3A_555 = arith.select %gt3A_554, %add3A_553, %select_n3A_540 : vector<16xi1>, vector<16xf32>
    %add3A_556 = arith.constant 32 : i32
    %add3A_557 = vector.broadcast %add3A_556 : i32 to vector<16xi32>
    %add3A_558 = arith.addi %iota3A, %add3A_557 : vector<16xi32>
    %select_n3A_559 = arith.select %gt3A_554, %add3A_558, %select_n3A_544 : vector<16xi1>, vector<16xi32>
    %get3A_560 = arith.constant 48 : index
    %get3A_561 = tpu.vector_load %arg6[%get3A_560] {strides = array<i32>} : memref<64xi32, #tpu.memory_space<vmem>>, vector<16xi32>,
    %add3A_562 = arith.constant 600 : i32
    %add3A_563 = vector.broadcast %add3A_562 : i32 to vector<16xi32>
    %add3A_564 = arith.addi %get3A_561, %add3A_563 : vector<16xi32>
    %gather3A_565 = tpu.vector_load_idx %arg8[%add3A_564] : memref<800xf32, #tpu.memory_space<vmem>>[vector<16xi32>], vector<16xf32>,
    %get3A_566 = arith.constant 432 : index
    %get3A_567 = tpu.vector_load %arg7[%get3A_566] {strides = array<i32>} : memref<512xf32, #tpu.memory_space<vmem>>, vector<16xf32>,
    %add3A_568 = arith.addf %gather3A_565, %get3A_567 : vector<16xf32>
    %gt3A_569 = arith.cmpf ogt, %add3A_568, %select_n3A_555 : vector<16xf32>
    %select_n3A_570 = arith.select %gt3A_569, %add3A_568, %select_n3A_555 : vector<16xi1>, vector<16xf32>
    %add3A_571 = arith.constant 48 : i32
    %add3A_572 = vector.broadcast %add3A_571 : i32 to vector<16xi32>
    %add3A_573 = arith.addi %iota3A, %add3A_572 : vector<16xi32>
    %select_n3A_574 = arith.select %gt3A_569, %add3A_573, %select_n3A_559 : vector<16xi1>, vector<16xi32>
    %reduce_max3A_575 = arith.constant true
    %reduce_max3A_576 = vector.broadcast %reduce_max3A_575 : i1 to vector<16xi1>
    %reduce_max3A_577 = tpu.scan <max>, %select_n3A_570 masked %reduce_max3A_576 : vector<16xf32>, vector<16xi1> -> vector<16xf32>
    %reduce_max3A_578 = vector.extract %reduce_max3A_577[15] : f32 from vector<16xf32>
    %eq3A_579 = vector.broadcast %reduce_max3A_578 : f32 to vector<16xf32>
    %eq3A_580 = arith.cmpf oeq, %select_n3A_570, %eq3A_579 : vector<16xf32>
    %jit3A_581 = arith.constant 64 : i32
    %broadcast_in_dim3A_582 = vector.broadcast %jit3A_581 : i32 to vector<16xi32>
    %select_n3A_583 = arith.select %eq3A_580, %select_n3A_574, %broadcast_in_dim3A_582 : vector<16xi1>, vector<16xi32>
    %reduce_min3A_584 = arith.constant true
    %reduce_min3A_585 = vector.broadcast %reduce_min3A_584 : i1 to vector<16xi1>
    %reduce_min3A_586 = arith.constant -2147483648 : i32
    %reduce_min3A_587 = vector.broadcast %reduce_min3A_586 : i32 to vector<16xi32>
    %reduce_min3A_588 = arith.xori %select_n3A_583, %reduce_min3A_587 : vector<16xi32>
    %reduce_min3A_589 = tpu.scan <min>, %reduce_min3A_588 masked %reduce_min3A_585 : vector<16xi32>, vector<16xi1> -> vector<16xi32>
    %reduce_min3A_590 = arith.xori %reduce_min3A_589, %reduce_min3A_587 : vector<16xi32>
    %reduce_min3A_591 = vector.extract %reduce_min3A_590[15] : i32 from vector<16xi32>
    %broadcast_in_dim3A_592 = vector.broadcast %reduce_min3A_591 : i32 to vector<16xi32>
    %gather3A_593 = tpu.vector_load_idx %arg6[%broadcast_in_dim3A_592] : memref<64xi32, #tpu.memory_space<vmem>>[vector<16xi32>], vector<16xi32>,
    %broadcast_in_dim3A_594 = arith.constant 6 : i32
    %broadcast_in_dim3A_595 = vector.broadcast %broadcast_in_dim3A_594 : i32 to vector<16xi32>
    tpu.vector_store_idx %arg9[%broadcast_in_dim3A_595], %gather3A_593 masked %eq3A_8 : memref<8xi32, #tpu.memory_space<vmem>>[vector<16xi32>], vector<16xi32>, vector<16xi1>
    %broadcast_in_dim3A_596 = arith.constant -3.400000e+38 : f32
    %broadcast_in_dim3A_597 = vector.broadcast %broadcast_in_dim3A_596 : f32 to vector<16xf32>
    %broadcast_in_dim3A_598 = arith.constant 0 : i32
    %broadcast_in_dim3A_599 = vector.broadcast %broadcast_in_dim3A_598 : i32 to vector<16xi32>
    %get3A_600 = arith.constant 0 : index
    %get3A_601 = tpu.vector_load %arg6[%get3A_600] {strides = array<i32>} : memref<64xi32, #tpu.memory_space<vmem>>, vector<16xi32>,
    %add3A_602 = arith.constant 700 : i32
    %add3A_603 = vector.broadcast %add3A_602 : i32 to vector<16xi32>
    %add3A_604 = arith.addi %get3A_601, %add3A_603 : vector<16xi32>
    %gather3A_605 = tpu.vector_load_idx %arg8[%add3A_604] : memref<800xf32, #tpu.memory_space<vmem>>[vector<16xi32>], vector<16xf32>,
    %get3A_606 = arith.constant 448 : index
    %get3A_607 = tpu.vector_load %arg7[%get3A_606] {strides = array<i32>} : memref<512xf32, #tpu.memory_space<vmem>>, vector<16xf32>,
    %add3A_608 = arith.addf %gather3A_605, %get3A_607 : vector<16xf32>
    %gt3A_609 = arith.cmpf ogt, %add3A_608, %broadcast_in_dim3A_597 : vector<16xf32>
    %select_n3A_610 = arith.select %gt3A_609, %add3A_608, %broadcast_in_dim3A_597 : vector<16xi1>, vector<16xf32>
    %add3A_611 = arith.constant 0 : i32
    %add3A_612 = vector.broadcast %add3A_611 : i32 to vector<16xi32>
    %add3A_613 = arith.addi %iota3A, %add3A_612 : vector<16xi32>
    %select_n3A_614 = arith.select %gt3A_609, %add3A_613, %broadcast_in_dim3A_599 : vector<16xi1>, vector<16xi32>
    %get3A_615 = arith.constant 16 : index
    %get3A_616 = tpu.vector_load %arg6[%get3A_615] {strides = array<i32>} : memref<64xi32, #tpu.memory_space<vmem>>, vector<16xi32>,
    %add3A_617 = arith.constant 700 : i32
    %add3A_618 = vector.broadcast %add3A_617 : i32 to vector<16xi32>
    %add3A_619 = arith.addi %get3A_616, %add3A_618 : vector<16xi32>
    %gather3A_620 = tpu.vector_load_idx %arg8[%add3A_619] : memref<800xf32, #tpu.memory_space<vmem>>[vector<16xi32>], vector<16xf32>,
    %get3A_621 = arith.constant 464 : index
    %get3A_622 = tpu.vector_load %arg7[%get3A_621] {strides = array<i32>} : memref<512xf32, #tpu.memory_space<vmem>>, vector<16xf32>,
    %add3A_623 = arith.addf %gather3A_620, %get3A_622 : vector<16xf32>
    %gt3A_624 = arith.cmpf ogt, %add3A_623, %select_n3A_610 : vector<16xf32>
    %select_n3A_625 = arith.select %gt3A_624, %add3A_623, %select_n3A_610 : vector<16xi1>, vector<16xf32>
    %add3A_626 = arith.constant 16 : i32
    %add3A_627 = vector.broadcast %add3A_626 : i32 to vector<16xi32>
    %add3A_628 = arith.addi %iota3A, %add3A_627 : vector<16xi32>
    %select_n3A_629 = arith.select %gt3A_624, %add3A_628, %select_n3A_614 : vector<16xi1>, vector<16xi32>
    %get3A_630 = arith.constant 32 : index
    %get3A_631 = tpu.vector_load %arg6[%get3A_630] {strides = array<i32>} : memref<64xi32, #tpu.memory_space<vmem>>, vector<16xi32>,
    %add3A_632 = arith.constant 700 : i32
    %add3A_633 = vector.broadcast %add3A_632 : i32 to vector<16xi32>
    %add3A_634 = arith.addi %get3A_631, %add3A_633 : vector<16xi32>
    %gather3A_635 = tpu.vector_load_idx %arg8[%add3A_634] : memref<800xf32, #tpu.memory_space<vmem>>[vector<16xi32>], vector<16xf32>,
    %get3A_636 = arith.constant 480 : index
    %get3A_637 = tpu.vector_load %arg7[%get3A_636] {strides = array<i32>} : memref<512xf32, #tpu.memory_space<vmem>>, vector<16xf32>,
    %add3A_638 = arith.addf %gather3A_635, %get3A_637 : vector<16xf32>
    %gt3A_639 = arith.cmpf ogt, %add3A_638, %select_n3A_625 : vector<16xf32>
    %select_n3A_640 = arith.select %gt3A_639, %add3A_638, %select_n3A_625 : vector<16xi1>, vector<16xf32>
    %add3A_641 = arith.constant 32 : i32
    %add3A_642 = vector.broadcast %add3A_641 : i32 to vector<16xi32>
    %add3A_643 = arith.addi %iota3A, %add3A_642 : vector<16xi32>
    %select_n3A_644 = arith.select %gt3A_639, %add3A_643, %select_n3A_629 : vector<16xi1>, vector<16xi32>
    %get3A_645 = arith.constant 48 : index
    %get3A_646 = tpu.vector_load %arg6[%get3A_645] {strides = array<i32>} : memref<64xi32, #tpu.memory_space<vmem>>, vector<16xi32>,
    %add3A_647 = arith.constant 700 : i32
    %add3A_648 = vector.broadcast %add3A_647 : i32 to vector<16xi32>
    %add3A_649 = arith.addi %get3A_646, %add3A_648 : vector<16xi32>
    %gather3A_650 = tpu.vector_load_idx %arg8[%add3A_649] : memref<800xf32, #tpu.memory_space<vmem>>[vector<16xi32>], vector<16xf32>,
    %get3A_651 = arith.constant 496 : index
    %get3A_652 = tpu.vector_load %arg7[%get3A_651] {strides = array<i32>} : memref<512xf32, #tpu.memory_space<vmem>>, vector<16xf32>,
    %add3A_653 = arith.addf %gather3A_650, %get3A_652 : vector<16xf32>
    %gt3A_654 = arith.cmpf ogt, %add3A_653, %select_n3A_640 : vector<16xf32>
    %select_n3A_655 = arith.select %gt3A_654, %add3A_653, %select_n3A_640 : vector<16xi1>, vector<16xf32>
    %add3A_656 = arith.constant 48 : i32
    %add3A_657 = vector.broadcast %add3A_656 : i32 to vector<16xi32>
    %add3A_658 = arith.addi %iota3A, %add3A_657 : vector<16xi32>
    %select_n3A_659 = arith.select %gt3A_654, %add3A_658, %select_n3A_644 : vector<16xi1>, vector<16xi32>
    %reduce_max3A_660 = arith.constant true
    %reduce_max3A_661 = vector.broadcast %reduce_max3A_660 : i1 to vector<16xi1>
    %reduce_max3A_662 = tpu.scan <max>, %select_n3A_655 masked %reduce_max3A_661 : vector<16xf32>, vector<16xi1> -> vector<16xf32>
    %reduce_max3A_663 = vector.extract %reduce_max3A_662[15] : f32 from vector<16xf32>
    %eq3A_664 = vector.broadcast %reduce_max3A_663 : f32 to vector<16xf32>
    %eq3A_665 = arith.cmpf oeq, %select_n3A_655, %eq3A_664 : vector<16xf32>
    %jit3A_666 = arith.constant 64 : i32
    %broadcast_in_dim3A_667 = vector.broadcast %jit3A_666 : i32 to vector<16xi32>
    %select_n3A_668 = arith.select %eq3A_665, %select_n3A_659, %broadcast_in_dim3A_667 : vector<16xi1>, vector<16xi32>
    %reduce_min3A_669 = arith.constant true
    %reduce_min3A_670 = vector.broadcast %reduce_min3A_669 : i1 to vector<16xi1>
    %reduce_min3A_671 = arith.constant -2147483648 : i32
    %reduce_min3A_672 = vector.broadcast %reduce_min3A_671 : i32 to vector<16xi32>
    %reduce_min3A_673 = arith.xori %select_n3A_668, %reduce_min3A_672 : vector<16xi32>
    %reduce_min3A_674 = tpu.scan <min>, %reduce_min3A_673 masked %reduce_min3A_670 : vector<16xi32>, vector<16xi1> -> vector<16xi32>
    %reduce_min3A_675 = arith.xori %reduce_min3A_674, %reduce_min3A_672 : vector<16xi32>
    %reduce_min3A_676 = vector.extract %reduce_min3A_675[15] : i32 from vector<16xi32>
    %broadcast_in_dim3A_677 = vector.broadcast %reduce_min3A_676 : i32 to vector<16xi32>
    %gather3A_678 = tpu.vector_load_idx %arg6[%broadcast_in_dim3A_677] : memref<64xi32, #tpu.memory_space<vmem>>[vector<16xi32>], vector<16xi32>,
    %broadcast_in_dim3A_679 = arith.constant 7 : i32
    %broadcast_in_dim3A_680 = vector.broadcast %broadcast_in_dim3A_679 : i32 to vector<16xi32>
    tpu.vector_store_idx %arg9[%broadcast_in_dim3A_680], %gather3A_678 masked %eq3A_8 : memref<8xi32, #tpu.memory_space<vmem>>[vector<16xi32>], vector<16xi32>, vector<16xi1>
    %min3A = arith.constant 7 : i32
    %min3A_681 = vector.broadcast %min3A : i32 to vector<16xi32>
    %min3A_682 = arith.minsi %iota3A, %min3A_681 : vector<16xi32>
    %add3A_683 = vector.broadcast %mul3A_2 : i32 to vector<16xi32>
    %add3A_684 = arith.addi %add3A_683, %iota3A : vector<16xi32>
    %lt3A = arith.constant 8 : i32
    %lt3A_685 = vector.broadcast %lt3A : i32 to vector<16xi32>
    %lt3A_686 = arith.cmpi slt, %iota3A, %lt3A_685 : vector<16xi32>
    tpu.vector_store_idx %arg10[%min3A_682], %add3A_684 masked %lt3A_686 : memref<8xi32, #tpu.memory_space<vmem>>[vector<16xi32>], vector<16xi32>, vector<16xi1>
    %dma_start3A = arith.constant 0 : i32
    %dma_start3A_687 = tpu.memref_slice %arg5[%dma_start3A] : memref<128xi32, #tpu.memory_space<hbm>> -> memref<128xi32, #tpu.memory_space<hbm>>
    tpu.enqueue_indirect_dma source(%arg9 : memref<8xi32, #tpu.memory_space<vmem>>) target(%dma_start3A_687 : memref<128xi32, #tpu.memory_space<hbm>>) offsets(%arg10 : memref<8xi32, #tpu.memory_space<vmem>>) semaphore(%arg11 : memref<!tpu.dma_semaphore, #tpu.memory_space<semaphore_mem>>)
    %dma_wait3A = arith.constant 0 : i32
    %dma_wait3A_688 = tpu.memref_slice %arg5[%dma_wait3A] : memref<128xi32, #tpu.memory_space<hbm>> -> memref<128xi32, #tpu.memory_space<hbm>>
    tpu.wait_indirect_dma semaphore(%arg11 : memref<!tpu.dma_semaphore, #tpu.memory_space<semaphore_mem>>) src(%arg9 : memref<8xi32, #tpu.memory_space<vmem>>) dst(%dma_wait3A_688 : memref<128xi32, #tpu.memory_space<hbm>>)
    return
  }
}

</mosaic_0001>

<sc_bundles>
// kernel: _run.3.cloned.1.call-start
scs
__scs_entry_jumppad:
0x0: {  	(pc) =	sbr.rel $0x88, $3  }
0x1: {  	(tag) =	ssettag $0x0;
	lr =	simm.s32 $0x1  }
0x2: {  	[smem:$0x3F9E] =	sst lr;
	_ =	strace $0xD0000000  }
0x3: {  	_ = 	snop  }
0x4: {  	_ = 	snop  }
0x5: {  	_ = 	snop  }
0x6: {  	_ = 	snop  }
0x7: {  	_ = 	snop  }
__scs_overlays_trampoline_lowered:
0x8: {  	[smem:$0x3FAD] =	sst s0  }
0x9: {  	[smem:$0x3FAE] =	sst s1  }
0xa: {  	[smem:$0x3FAF] =	sst s2  }
0xb: {  	[smem:$0x3FB0] =	sst s3  }
0xc: {  	[smem:$0x3FB1] =	sst s4  }
0xd: {  	[smem:$0x3FB2] =	sst s5  }
0xe: {  	[smem:$0x3FB3] =	sst s6  }
0xf: {  	[smem:$0x3FB4] =	sst s7  }
0x10: {  	[smem:$0x3FB5] =	sst s8  }
0x11: {  	[smem:$0x3FB6] =	sst s9;
	s0 =	simm.s32 @!p0 $0x0  }
0x12: {  	s1 =	sld [smem:$0x3F9C];
	s0 =	simm.s32 @p0 $0x1  }
0x13: {  	[smem:$0x3FB7] =	sst s0;
	s0 =	simm.s32 @!p1 $0x0  }
0x14: {  	s2 =	sld [smem:$0x3F9B];
	s0 =	simm.s32 @p1 $0x1  }
0x15: {  	[smem:$0x3FB8] =	sst s0;
	s0 =	simm.s32 @!p2 $0x0  }
0x16: {  	s3 =	sld [smem:$0x3FDB];
	s0 =	simm.s32 @p2 $0x1  }
0x17: {  	s4 =	simm.s32 $0x1BF5;
	[smem:$0x3FBA] =	sst s0  }
0x18: {  	s0 =	sld [smem:$0x3F9D];
	_ =	swait.ge [sflag:s4], $0x0  }
0x19: {  	s7 =	sld [smem:$0x3F9E]  }
0x1a: {  	s8 =	sadd.s32 $0xFFFFE003, lr  }
0x1b: {  	s9 =	sadd.s32 $0xFFFFFEF7, lr;
	s5 =	simm.s32 $0xFFFFFFFF;
	p2 =	slt.u32 s8, $0xFFFFF086  }
0x1c: {  	p1 =	slt.u32 s9, $0xF7A;
	s5 =	simm.s32 @!p2 $0x0  }
0x1d: {  	s5 =	simm.s32 @p1 $0x1;
	p0 =	seq.s32 s7, s2  }
0x1e: {  	s7 =	smul.u32 @!p0 $0xF7A, s2;
	p2 =	seq.s32 @!p0 s5, $0x0  }
0x1f: {  	s9 =	smul.u32 $0xF7A, s1;
	s8 =	simm.s32 @!p0 $0x1BF5;
	p2 =	por !p2, p0  }
0x20: {  	[sflag:s8] =	ssyncset.s32 @!p0 $0xFFFFF086;
	s6 =	sadd.s32 @!p0 s3, s7;
	s7 =	simm.s32 @!p0 $0x108  }
0x21: {  	s3 =	sadd.s32 s3, s9;
	s6 =	sadd.s32 @!p0 $0x88, s6;
	s7 =	simm.s32 @p2 $0x1082  }
0x22: {  	[simem:s7], [sflag:s8] =	dma.local @!p0 [hbm:s6], $0xF7A  }
0x23: {  	s9 =	sor.u32 $0xD0000000, s2;
	s6 =	simm.s32 $0x108;
	_ =	swait.ge @!p0 [sflag:s8], $0x0  }
0x24: {  	s3 =	sadd.s32 $0x88, s3;
	s6 =	simm.s32 @!p1 $0x1082;
	[sflag:s4] =	ssyncset.s32 $0xFFFFF086  }
0x25: {  	[simem:s6], [sflag:s4] =	dma.local [hbm:s3], $0xF7A  }
0x26: {  	[smem:$0x3F9E] =	sst s1;
	(tag) =	ssettag s2;
	_ =	strace s9  }
0x27: {  	s1 =	sld [smem:$0x3FAE]  }
0x28: {  	s2 =	sld [smem:$0x3FAF]  }
0x29: {  	s4 =	sld [smem:$0x3FB1]  }
0x2a: {  	p0 =	seq.s32 s5, $0x0;
	s5 =	sld [smem:$0x3FB2]  }
0x2b: {  	s6 =	sld [smem:$0x3FB3]  }
0x2c: {  	s7 =	sld [smem:$0x3FB4]  }
0x2d: {  	s3 =	simm.s32 $0x108;
	s8 =	sld [smem:$0x3FB5]  }
0x2e: {  	s3 =	simm.s32 @!p0 $0x1082;
	s9 =	sld [smem:$0x3FB6]  }
0x2f: {  	lr =	sadd.s32 s0, s3;
	s0 =	sld [smem:$0x3FAD]  }
0x30: {  	s3 =	sld [smem:$0x3FB0]  }
0x31: {  	[smem:$0x3FB9] =	sst s10  }
0x32: {  	s10 =	sld [smem:$0x3FB7];
	_ =	sdelay $0x3  }
0x33: {  	p0 =	seq.s32 s10, $0x1;
	s10 =	sld [smem:$0x3FB9];
	_ =	sdelay $0x3  }
0x34: {  	[smem:$0x3FB9] =	sst s10  }
0x35: {  	s10 =	sld [smem:$0x3FB8];
	_ =	sdelay $0x3  }
0x36: {  	p1 =	seq.s32 s10, $0x1;
	s10 =	sld [smem:$0x3FB9];
	_ =	sdelay $0x3  }
0x37: {  	[smem:$0x3FB9] =	sst s10  }
0x38: {  	s10 =	sld [smem:$0x3FBA]  }
0x39: {  	_ = 	snop;
	(pc) =	sbr.ind lr, $3  }
0x3a: {  	_ = 	snop  }
0x3b: {  	_ = 	snop  }
0x3c: {  	p2 =	seq.s32 s10, $0x1;
	s10 =	sld [smem:$0x3FB9]  }
0x3d: {  	_ =	shalt  }
0x3e: {  	_ =	shalt  }
0x3f: {  	_ =	shalt  }
0x40: {  	_ =	shalt  }
0x41: {  	_ =	shalt  }
0x42: {  	_ =	shalt  }
0x43: {  	_ =	shalt  }
0x44: {  	_ =	shalt  }
0x45: {  	_ =	shalt  }
0x46: {  	_ =	shalt  }
0x47: {  	_ =	shalt  }
0x48: {  	_ =	shalt  }
0x49: {  	_ =	shalt  }
0x4a: {  	_ =	shalt  }
0x4b: {  	_ =	shalt  }
0x4c: {  	_ =	shalt  }
0x4d: {  	_ =	shalt  }
0x4e: {  	_ =	shalt  }
0x4f: {  	_ =	shalt  }
0x50: {  	_ =	shalt  }
0x51: {  	_ =	shalt  }
0x52: {  	_ =	shalt  }
0x53: {  	_ =	shalt  }
0x54: {  	_ =	shalt  }
0x55: {  	_ =	shalt  }
0x56: {  	_ =	shalt  }
0x57: {  	_ =	shalt  }
0x58: {  	_ =	shalt  }
0x59: {  	_ =	shalt  }
0x5a: {  	_ =	shalt  }
0x5b: {  	_ =	shalt  }
0x5c: {  	_ =	shalt  }
0x5d: {  	_ =	shalt  }
0x5e: {  	_ =	shalt  }
0x5f: {  	_ =	shalt  }
0x60: {  	_ =	shalt  }
0x61: {  	_ =	shalt  }
0x62: {  	_ =	shalt  }
0x63: {  	_ =	shalt  }
0x64: {  	_ =	shalt  }
0x65: {  	_ =	shalt  }
0x66: {  	_ =	shalt  }
0x67: {  	_ =	shalt  }
0x68: {  	_ =	shalt  }
0x69: {  	_ =	shalt  }
0x6a: {  	_ =	shalt  }
0x6b: {  	_ =	shalt  }
0x6c: {  	_ =	shalt  }
0x6d: {  	_ =	shalt  }
0x6e: {  	_ =	shalt  }
0x6f: {  	_ =	shalt  }
0x70: {  	_ =	shalt  }
0x71: {  	_ =	shalt  }
0x72: {  	_ =	shalt  }
0x73: {  	_ =	shalt  }
0x74: {  	_ =	shalt  }
0x75: {  	_ =	shalt  }
0x76: {  	_ =	shalt  }
0x77: {  	_ =	shalt  }
0x78: {  	_ =	shalt  }
0x79: {  	_ =	shalt  }
0x7a: {  	_ =	shalt  }
0x7b: {  	_ =	shalt  }
0x7c: {  	_ =	shalt  }
0x7d: {  	_ =	shalt  }
0x7e: {  	_ =	shalt  }
0x7f: {  	_ =	shalt  }
0x80: {  	_ =	shalt  }
0x81: {  	_ =	shalt  }
0x82: {  	_ =	shalt  }
0x83: {  	_ =	shalt  }
0x84: {  	_ =	shalt  }
0x85: {  	_ =	shalt  }
0x86: {  	_ =	shalt  }
0x87: {  	_ =	shalt  }
.Lfunc_end0:
.L_simem_size_0:
called_computation_lowered:
.L_overlay_start_0:
0x88: {  	s0 =	sld [smem:$0x3FD9]  }
0x89: {  	s1 =	sld [smem:$0x3FFE];
	_ =	sdelay $0x3  }
0x8a: {  	s0 =	sadd.s32 s1, s0  }
0x8b: {  	[smem:$0x3FC5] =	sst s0  }
0x8c: {  	_ = 	snop  }
0x8d: {  	s0 =	sld [smem:$0x3FC9]  }
0x8e: {  	s17 =	sld [smem:$0x3FC8]  }
0x8f: {  	s2 =	sld [smem:$0x3FC7]  }
0x90: {  	s3 =	sld [smem:$0x3FD0];
	(tm) =	ssettm $0x1  }
0x91: {  	s4 =	sld [smem:$0x3FFB];
	_ =	sdelay $0x3  }
0x92: {  	_ =	strace s4  }
0x93: {  	s4 =	sld [smem:$0x3FFC];
	_ =	sdelay $0x3  }
0x94: {  	_ =	strace s4  }
0x95: {  	s4 =	sld [smem:$0x3FFD];
	_ =	sdelay $0x3  }
0x96: {  	_ =	strace s4  }
0x97: {  	_ =	strace $0x8FFFFFFF  }
0x98: {  	s18 =	sld [smem:$0x3FDB];
	_ =	sdelay $0x1  }
0x99: {  	s5 =	simm.s32 $_scs_section_size  }
0x9a: {  	s6 =	simm.s32 $_size__tile_overlayer_lowered;
	s7 =	simm.s32 $_tile_overlayer_lowered  }
0x9b: {  	s21 =	simm.s32 $0x1BFF;
	s20 =	sshll.u32 s7, $0x1;
	s4 =	sadd.s32 s5, s18  }
0x9c: {  	s8 =	simm.s32 $0x0;
	s19 =	sshll.u32 s6, $0x1;
	s6 =	sadd.s32 s20, s4  }
0x9d: {  	[timem:s8], [sflag:s21] =	dma.local [hbm:s6], s19  }
0x9e: {  	_ =	swait.ge [sflag:s21], s19  }
0x9f: {  	s5 =	ssub.s32 $0x0, s19;
	[sflag:s21] =	ssyncset.done $0x0  }
0xa0: {  	[sflag:s21] =	ssyncadd.s32 s5;
	_ =	sdelay $0x1  }
0xa1: {  	s22 =	simm.s32 $0x1B8B  }
0xa2: {  	_ =	swait.ge [sflag:s22], $0x1  }
0xa3: {  	[sflag:s22] =	ssyncset.done $0x0  }
0xa4: {  	s23 =	simm.s32 $0x1B8E;
	[sflag:s22] =	ssyncadd.s32 $0xFFFFFFFF  }
0xa5: {  	s24 =	simm.s32 $execute0_lowered;
	[smem:$0x3FD2] =	sst s23  }
0xa6: {  	s5 =	sshll.u32 s24, $0x1;
	_ =	strace $0x80000046;
	[dreg:$0x1] =	wrdreg $0xFFFFFFFF  }
0xa7: {  	s25 =	simm.s32 $_size_execute0_lowered;
	s4 =	sadd.s32 s4, s5;
	[dreg:$0x0] =	wrdreg $0x0  }
0xa8: {  	s5 =	sshll.u32 s25, $0x1;
	[dreg:$0x2] =	wrdreg s4  }
0xa9: {  	[dreg:$0x3] =	wrdreg s5  }
0xaa: {  	[dreg:$0x4] =	wrdreg $0xC0  }
0xab: {  	_ =	task [dreg:s8], $0x5FFFF  }
0xac: {  	[dreg:$0x1] =	wrdreg $0xFFFFFFFF  }
0xad: {  	[dreg:$0x0] =	wrdreg $0x60  }
0xae: {  	[dreg:$0x2] =	wrdreg s0  }
0xaf: {  	[dreg:$0x3] =	wrdreg s17  }
0xb0: {  	[dreg:$0x4] =	wrdreg s2  }
0xb1: {  	[dreg:$0x5] =	wrdreg s3  }
0xb2: {  	[dreg:$0x6] =	wrdreg $0x9  }
0xb3: {  	_ =	task.clear_ibuf [dreg:s8], $0x7FFFF;
	_ =	strace $0x90000046  }
0xb4: {  	s26 =	simm.s32 $0x9;
	_ =	strace $0x80000048  }
0xb5: {  	_ =	swait.ge [sflag:s26], $0x1  }
0xb6: {  	[sflag:s26] =	ssyncadd.s32 $0xFFFFFFFF  }
0xb7: {  	_ =	strace $0x90000048  }
0xb8: {  	_ =	sfence  }
0xb9: {  	s28 =	sld [smem:$0x0];
	_ =	sdelay $0x1  }
0xba: {  	s29 =	srdreg.scid  }
0xbb: {  	s30 =	sshll.u32 s29, $0xD;
	s31 =	sshrl.u32 s29, $0x2  }
0xbc: {  	s1 =	sand.u32 $0x1, s29;
	s2 =	sand.u32 $0x4000, s30;
	s0 =	sadd.s32 s31, s28  }
0xbd: {  	s1 =	sor.u32 s2, s1;
	s0 =	sshll.u32 s0, $0x11  }
0xbe: {  	s0 =	sor.u32 s0, s1  }
0xbf: {  	s0 =	sadd.s32 $0x8F2B, s0  }
0xc0: {  	[sflag:s0] =	ssyncadd.remote.s32 $0x1  }
0xc1: {  	_ =	sfence.sel $0xFFFF  }
0xc2: {  	[dreg:$0x0] =	wrdreg $0xFFFFFFFF;
	(pc) =	sbr.abs _section_cstart, $3  }
0xc3: {  	[dreg:$0x1] =	wrdreg $0xFFFFFFFF  }
0xc4: {  	_ =	task.clear_ibuf [dreg:s8], $0x2FFFF;
	_ =	strace $0x9FFFFFFF  }
0xc5: {  	(tm) =	ssettm $0x7FFFFFFF  }
tec
execute0_lowered:
.L_overlay_start_1:
0x0: {  	(tag) =	ssettag $0x1  }
0x1: {  	s4 =	rddreg [dreg:$0x0]  }
0x2: {  	s5 =	rddreg [dreg:$0x1]  }
0x3: {  	s1 =	rddreg [dreg:$0x2]  }
0x4: {  	s2 =	rddreg [dreg:$0x3];
	s3 =	simm.s32 $0x0  }
0x5: {  	[smem:$0x7FF] =	sst s3  }
0x6: {  	s0 =	rddreg [dreg:$0x4];
	s6 =	simm.s32 $0x2;
	_ =	strace $0x80000047  }
0x7: {  	[tilespmem:s3], [sflag:$0x2] =	stream.linear.gather [hbm4b:s1+s3], $0x80, $0x38;
	[tilespmem:$0x700] =	vst v63  }
0x8: {  	s14 =	stileid.u32;
	_ =	swait.ge [sflag:s6], $0x80  }
0x9: {  	s7 =	sshll.u32 s14, $0x6;
	[sflag:s6] =	ssyncset.done $0x0  }
0xa: {  	s15 =	simm.s32 $0x80;
	s5 =	sadd.s32 s5, s7;
	[sflag:s6] =	ssyncadd.s32 $0xFFFFFF80  }
0xb: {  	[tilespmem:s15], [sflag:$0x2] =	stream.linear.gather [hbm4b:s5+s3], $0x200, $0x38;
	[tilespmem:$0x700] =	vst v63  }
0xc: {  	s16 =	smul.u32 $0x64, s14;
	_ =	swait.ge [sflag:s6], $0x200  }
0xd: {  	[sflag:s6] =	ssyncset.done $0x0  }
0xe: {  	s17 =	simm.s32 $0x280;
	s5 =	sadd.s32 s4, s16;
	[sflag:s6] =	ssyncadd.s32 $0xFFFFFE00  }
0xf: {  	[tilespmem:s17], [sflag:$0x2] =	stream.linear.gather [hbm4b:s5+s3], $0x320, $0x38;
	[tilespmem:$0x700] =	vst v63  }
0x10: {  	_ =	swait.ge [sflag:s6], $0x320  }
0x11: {  	[sflag:s6] =	ssyncset.done $0x0  }
0x12: {  	[sflag:s6] =	ssyncadd.s32 $0xFFFFFCE0  }
0x13: {  	v0 =	vld [tilespmem:$0x0];
	_ =	sdelay $0x1  }
0x14: {  	v1 =	vld [tilespmem:$0x10];
	_ =	sdelay $0x1  }
0x15: {  	v2 =	vld [tilespmem:$0x20];
	_ =	sdelay $0x1  }
0x16: {  	v3 =	vld [tilespmem:$0x30]  }
0x17: {  	v4 =	vld [tilespmem:$0x80]  }
0x18: {  	v0 =	vld.idx.msk [tilespmem:v0+s17+$0x0], $0xffff  }
0x19: {  	v5 =	vld [tilespmem:$0x90]  }
0x1a: {  	v1 =	vld.idx.msk [tilespmem:v1+s17+$0x0], $0xffff  }
0x1b: {  	v6 =	vld [tilespmem:$0xA0]  }
0x1c: {  	v2 =	vld.idx.msk [tilespmem:v2+s17+$0x0], $0xffff  }
0x1d: {  	v29 =	vld [tilespmem:$0xB0];
	v0 =	vadd.f32 v4, v0  }
0x1e: {  	v3 =	vld.idx.msk [tilespmem:v3+s17+$0x0], $0xffff  }
0x1f: {  	v1 =	vadd.f32 v5, v1;
	vm0 =	vgt.f32 v0, $-3.399999950e+38  }
0x20: {  	v0 =	vnsel vm0, $0xFF7FC99E, v0  }
0x21: {  	v2 =	vadd.f32 v6, v2;
	vm1 =	vgt.f32 v1, v0  }
0x22: {  	v0 =	vsel vm1, v1, v0  }
0x23: {  	v30 =	vadd.f32 v29, v3;
	vm2 =	vgt.f32 v2, v0  }
0x24: {  	v0 =	vsel vm2, v2, v0  }
0x25: {  	vm3 =	vgt.f32 v30, v0  }
0x26: {  	v31 =	vsel vm3, v30, v0  }
0x27: {  	(xrf0) =	vmax.scan.msk.f32 $0xffff, v31;
	_ =	sdelay $0x3  }
0x28: {  	v0 =	vlaneseq.u32  }
0x29: {  	v1 =	vor.u32 $0x80000000, v0  }
0x2a: {  	v2 =	vor.u32 $0x80000010, v0;
	v33 =	vnsel vm0, $0x80000000, v1;
	v32, _, _ =	vpop (xrf0)  }
0x2b: {  	v3 =	vor.u32 $0x80000020, v0;
	v4 =	vsel vm1, v2, v33;
	v34 =	vbroadcast v32, $0xF  }
0x2c: {  	v7 =	vsel vm2, v3, v4;
	v4 =	vor.u32 $0x80000030, v0  }
0x2d: {  	v35 =	vsel vm3, v4, v7;
	vm9 =	veq.f32 v31, v34  }
0x2e: {  	v5 =	vnsel vm9, $0x80000040, v35  }
0x2f: {  	(xrf0) =	vmin.scan.msk.u32 $0xffff, v5;
	_ =	sdelay $0x5  }
0x30: {  	v5, _, _ =	vpop (xrf0)  }
0x31: {  	(v2sf) =	vpush v5, $0xF;
	_ =	sdelay $0xe  }
0x32: {  	s18 =	spop (v2sf)  }
0x33: {  	s5 =	sxor.u32 $0x80000000, s18  }
0x34: {  	v36 =	vmov s5;
	_ =	sdelay $0x4  }
0x35: {  	v37 =	vimm.s32 $0x0;
	v5 =	vld.idx.msk [tilespmem:v36+s3+$0x0], $0xffff;
	_ =	sdelay $0x3  }
0x36: {  	s19 =	simm.s32 $0x600  }
0x37: {  	[tilespmem:v37+s19+$0x0] =	vst.idx.msk $0x1, v5  }
0x38: {  	v5 =	vld [tilespmem:$0x0];
	_ =	sdelay $0x1  }
0x39: {  	v6 =	vld [tilespmem:$0x10];
	_ =	sdelay $0x1  }
0x3a: {  	v38 =	vld [tilespmem:$0x20]  }
0x3b: {  	v5 =	vadd.s32 $0x64, v5  }
0x3c: {  	v8 =	vld [tilespmem:$0x30]  }
0x3d: {  	v6 =	vadd.s32 $0x64, v6;
	_ =	sdelay $0x1  }
0x3e: {  	v9 =	vld [tilespmem:$0xC0];
	v7 =	vadd.s32 $0x64, v38  }
0x3f: {  	v5 =	vld.idx.msk [tilespmem:v5+s17+$0x0], $0xffff  }
0x40: {  	v10 =	vld [tilespmem:$0xD0];
	v8 =	vadd.s32 $0x64, v8  }
0x41: {  	v6 =	vld.idx.msk [tilespmem:v6+s17+$0x0], $0xffff  }
0x42: {  	v11 =	vld [tilespmem:$0xE0]  }
0x43: {  	v7 =	vld.idx.msk [tilespmem:v7+s17+$0x0], $0xffff  }
0x44: {  	v39 =	vld [tilespmem:$0xF0];
	v5 =	vadd.f32 v9, v5  }
0x45: {  	v8 =	vld.idx.msk [tilespmem:v8+s17+$0x0], $0xffff  }
0x46: {  	v6 =	vadd.f32 v10, v6;
	vm10 =	vgt.f32 v5, $-3.399999950e+38  }
0x47: {  	v5 =	vnsel vm10, $0xFF7FC99E, v5  }
0x48: {  	v7 =	vadd.f32 v11, v7;
	vm11 =	vgt.f32 v6, v5  }
0x49: {  	v5 =	vsel vm11, v6, v5  }
0x4a: {  	v40 =	vadd.f32 v39, v8;
	vm12 =	vgt.f32 v7, v5  }
0x4b: {  	v5 =	vsel vm12, v7, v5  }
0x4c: {  	vm13 =	vgt.f32 v40, v5  }
0x4d: {  	v5 =	vsel vm13, v40, v5  }
0x4e: {  	(xrf0) =	vmax.scan.msk.f32 $0xffff, v5;
	_ =	sdelay $0x5  }
0x4f: {  	v42 =	vnsel vm10, $0x80000000, v1;
	v41, _, _ =	vpop (xrf0)  }
0x50: {  	v7 =	vsel vm11, v2, v42;
	v6 =	vbroadcast v41, $0xF  }
0x51: {  	v7 =	vsel vm12, v3, v7  }
0x52: {  	v43 =	vsel vm13, v4, v7;
	vm14 =	veq.f32 v5, v6  }
0x53: {  	v5 =	vnsel vm14, $0x80000040, v43  }
0x54: {  	(xrf0) =	vmin.scan.msk.u32 $0xffff, v5;
	_ =	sdelay $0x5  }
0x55: {  	v5, _, _ =	vpop (xrf0)  }
0x56: {  	(v2sf) =	vpush v5, $0xF;
	_ =	sdelay $0xe  }
0x57: {  	s20 =	spop (v2sf)  }
0x58: {  	s6 =	sxor.u32 $0x80000000, s20  }
0x59: {  	v44 =	vmov s6;
	_ =	sdelay $0x4  }
0x5a: {  	v45 =	vimm.s32 $0x1;
	v5 =	vld.idx.msk [tilespmem:v44+s3+$0x0], $0xffff;
	_ =	sdelay $0x4  }
0x5b: {  	[tilespmem:v45+s19+$0x0] =	vst.idx.msk $0x1, v5  }
0x5c: {  	v5 =	vld [tilespmem:$0x0];
	_ =	sdelay $0x1  }
0x5d: {  	v6 =	vld [tilespmem:$0x10];
	_ =	sdelay $0x1  }
0x5e: {  	v46 =	vld [tilespmem:$0x20]  }
0x5f: {  	v5 =	vadd.s32 $0xC8, v5  }
0x60: {  	v47 =	vld [tilespmem:$0x30]  }
0x61: {  	v6 =	vadd.s32 $0xC8, v6;
	_ =	sdelay $0x1  }
0x62: {  	v48 =	vld [tilespmem:$0x100];
	v7 =	vadd.s32 $0xC8, v46  }
0x63: {  	v5 =	vld.idx.msk [tilespmem:v5+s17+$0x0], $0xffff  }
0x64: {  	v49 =	vld [tilespmem:$0x110];
	v8 =	vadd.s32 $0xC8, v47  }
0x65: {  	v6 =	vld.idx.msk [tilespmem:v6+s17+$0x0], $0xffff  }
0x66: {  	v50 =	vld [tilespmem:$0x120]  }
0x67: {  	v7 =	vld.idx.msk [tilespmem:v7+s17+$0x0], $0xffff  }
0x68: {  	v51 =	vld [tilespmem:$0x130];
	v5 =	vadd.f32 v48, v5  }
0x69: {  	v8 =	vld.idx.msk [tilespmem:v8+s17+$0x0], $0xffff  }
0x6a: {  	v6 =	vadd.f32 v49, v6;
	vm15 =	vgt.f32 v5, $-3.399999950e+38  }
0x6b: {  	v5 =	vnsel vm15, $0xFF7FC99E, v5  }
0x6c: {  	v7 =	vadd.f32 v50, v7;
	vm6 =	vgt.f32 v6, v5  }
0x6d: {  	v5 =	vsel vm6, v6, v5  }
0x6e: {  	v52 =	vadd.f32 v51, v8;
	vm7 =	vgt.f32 v7, v5  }
0x6f: {  	v5 =	vsel vm7, v7, v5  }
0x70: {  	vm8 =	vgt.f32 v52, v5  }
0x71: {  	v5 =	vsel vm8, v52, v5  }
0x72: {  	(xrf0) =	vmax.scan.msk.f32 $0xffff, v5;
	_ =	sdelay $0x5  }
0x73: {  	v54 =	vnsel vm15, $0x80000000, v1;
	v53, _, _ =	vpop (xrf0)  }
0x74: {  	v7 =	vsel vm6, v2, v54;
	v6 =	vbroadcast v53, $0xF  }
0x75: {  	v7 =	vsel vm7, v3, v7  }
0x76: {  	v55 =	vsel vm8, v4, v7;
	vm9 =	veq.f32 v5, v6  }
0x77: {  	v5 =	vnsel vm9, $0x80000040, v55  }
0x78: {  	(xrf0) =	vmin.scan.msk.u32 $0xffff, v5;
	_ =	sdelay $0x5  }
0x79: {  	v5, _, _ =	vpop (xrf0)  }
0x7a: {  	(v2sf) =	vpush v5, $0xF;
	_ =	sdelay $0xe  }
0x7b: {  	s21 =	spop (v2sf)  }
0x7c: {  	s6 =	sxor.u32 $0x80000000, s21  }
0x7d: {  	v56 =	vmov s6;
	_ =	sdelay $0x4  }
0x7e: {  	v57 =	vimm.s32 $0x2;
	v5 =	vld.idx.msk [tilespmem:v56+s3+$0x0], $0xffff;
	_ =	sdelay $0x4  }
0x7f: {  	[tilespmem:v57+s19+$0x0] =	vst.idx.msk $0x1, v5  }
0x80: {  	v5 =	vld [tilespmem:$0x0];
	_ =	sdelay $0x1  }
0x81: {  	v6 =	vld [tilespmem:$0x10];
	_ =	sdelay $0x1  }
0x82: {  	v58 =	vld [tilespmem:$0x20]  }
0x83: {  	v5 =	vadd.s32 $0x12C, v5  }
0x84: {  	v59 =	vld [tilespmem:$0x30]  }
0x85: {  	v6 =	vadd.s32 $0x12C, v6;
	_ =	sdelay $0x1  }
0x86: {  	v60 =	vld [tilespmem:$0x140];
	v7 =	vadd.s32 $0x12C, v58  }
0x87: {  	v5 =	vld.idx.msk [tilespmem:v5+s17+$0x0], $0xffff  }
0x88: {  	v61 =	vld [tilespmem:$0x150];
	v8 =	vadd.s32 $0x12C, v59  }
0x89: {  	v6 =	vld.idx.msk [tilespmem:v6+s17+$0x0], $0xffff  }
0x8a: {  	v62 =	vld [tilespmem:$0x160]  }
0x8b: {  	v7 =	vld.idx.msk [tilespmem:v7+s17+$0x0], $0xffff  }
0x8c: {  	v63 =	vld [tilespmem:$0x170];
	v5 =	vadd.f32 v60, v5  }
0x8d: {  	v8 =	vld.idx.msk [tilespmem:v8+s17+$0x0], $0xffff  }
0x8e: {  	v6 =	vadd.f32 v61, v6;
	vm10 =	vgt.f32 v5, $-3.399999950e+38  }
0x8f: {  	v5 =	vnsel vm10, $0xFF7FC99E, v5  }
0x90: {  	v7 =	vadd.f32 v62, v7;
	vm11 =	vgt.f32 v6, v5  }
0x91: {  	v5 =	vsel vm11, v6, v5  }
0x92: {  	v11 =	vadd.f32 v63, v8;
	vm12 =	vgt.f32 v7, v5  }
0x93: {  	v5 =	vsel vm12, v7, v5  }
0x94: {  	vm13 =	vgt.f32 v11, v5  }
0x95: {  	v5 =	vsel vm13, v11, v5  }
0x96: {  	(xrf0) =	vmax.scan.msk.f32 $0xffff, v5;
	_ =	sdelay $0x5  }
0x97: {  	v13 =	vnsel vm10, $0x80000000, v1;
	v12, _, _ =	vpop (xrf0)  }
0x98: {  	v7 =	vsel vm11, v2, v13;
	v6 =	vbroadcast v12, $0xF  }
0x99: {  	v7 =	vsel vm12, v3, v7  }
0x9a: {  	v14 =	vsel vm13, v4, v7;
	vm14 =	veq.f32 v5, v6  }
0x9b: {  	v5 =	vnsel vm14, $0x80000040, v14  }
0x9c: {  	(xrf0) =	vmin.scan.msk.u32 $0xffff, v5;
	_ =	sdelay $0x5  }
0x9d: {  	v5, _, _ =	vpop (xrf0)  }
0x9e: {  	(v2sf) =	vpush v5, $0xF;
	_ =	sdelay $0xe  }
0x9f: {  	s22 =	spop (v2sf)  }
0xa0: {  	s6 =	sxor.u32 $0x80000000, s22  }
0xa1: {  	v15 =	vmov s6;
	_ =	sdelay $0x4  }
0xa2: {  	v16 =	vimm.s32 $0x3;
	v5 =	vld.idx.msk [tilespmem:v15+s3+$0x0], $0xffff;
	_ =	sdelay $0x4  }
0xa3: {  	[tilespmem:v16+s19+$0x0] =	vst.idx.msk $0x1, v5  }
0xa4: {  	v5 =	vld [tilespmem:$0x0];
	_ =	sdelay $0x1  }
0xa5: {  	v6 =	vld [tilespmem:$0x10];
	_ =	sdelay $0x1  }
0xa6: {  	v17 =	vld [tilespmem:$0x20]  }
0xa7: {  	v5 =	vadd.s32 $0x190, v5  }
0xa8: {  	v18 =	vld [tilespmem:$0x30]  }
0xa9: {  	v6 =	vadd.s32 $0x190, v6;
	_ =	sdelay $0x1  }
0xaa: {  	v19 =	vld [tilespmem:$0x180];
	v7 =	vadd.s32 $0x190, v17  }
0xab: {  	v5 =	vld.idx.msk [tilespmem:v5+s17+$0x0], $0xffff  }
0xac: {  	v20 =	vld [tilespmem:$0x190];
	v8 =	vadd.s32 $0x190, v18  }
0xad: {  	v6 =	vld.idx.msk [tilespmem:v6+s17+$0x0], $0xffff  }
0xae: {  	v21 =	vld [tilespmem:$0x1A0]  }
0xaf: {  	v7 =	vld.idx.msk [tilespmem:v7+s17+$0x0], $0xffff  }
0xb0: {  	v22 =	vld [tilespmem:$0x1B0];
	v5 =	vadd.f32 v19, v5  }
0xb1: {  	v8 =	vld.idx.msk [tilespmem:v8+s17+$0x0], $0xffff  }
0xb2: {  	v6 =	vadd.f32 v20, v6;
	vm15 =	vgt.f32 v5, $-3.399999950e+38  }
0xb3: {  	v5 =	vnsel vm15, $0xFF7FC99E, v5  }
0xb4: {  	v7 =	vadd.f32 v21, v7;
	vm6 =	vgt.f32 v6, v5  }
0xb5: {  	v5 =	vsel vm6, v6, v5  }
0xb6: {  	v23 =	vadd.f32 v22, v8;
	vm7 =	vgt.f32 v7, v5  }
0xb7: {  	v5 =	vsel vm7, v7, v5  }
0xb8: {  	vm8 =	vgt.f32 v23, v5  }
0xb9: {  	v5 =	vsel vm8, v23, v5  }
0xba: {  	(xrf0) =	vmax.scan.msk.f32 $0xffff, v5;
	_ =	sdelay $0x5  }
0xbb: {  	v25 =	vnsel vm15, $0x80000000, v1;
	v24, _, _ =	vpop (xrf0)  }
0xbc: {  	v7 =	vsel vm6, v2, v25;
	v6 =	vbroadcast v24, $0xF  }
0xbd: {  	v7 =	vsel vm7, v3, v7  }
0xbe: {  	v26 =	vsel vm8, v4, v7;
	vm9 =	veq.f32 v5, v6  }
0xbf: {  	v5 =	vnsel vm9, $0x80000040, v26  }
0xc0: {  	(xrf0) =	vmin.scan.msk.u32 $0xffff, v5;
	_ =	sdelay $0x5  }
0xc1: {  	v5, _, _ =	vpop (xrf0)  }
0xc2: {  	(v2sf) =	vpush v5, $0xF;
	_ =	sdelay $0xe  }
0xc3: {  	s23 =	spop (v2sf)  }
0xc4: {  	s6 =	sxor.u32 $0x80000000, s23  }
0xc5: {  	v27 =	vmov s6;
	_ =	sdelay $0x4  }
0xc6: {  	v28 =	vimm.s32 $0x4;
	v5 =	vld.idx.msk [tilespmem:v27+s3+$0x0], $0xffff;
	_ =	sdelay $0x4  }
0xc7: {  	[tilespmem:v28+s19+$0x0] =	vst.idx.msk $0x1, v5  }
0xc8: {  	v5 =	vld [tilespmem:$0x0];
	_ =	sdelay $0x1  }
0xc9: {  	v6 =	vld [tilespmem:$0x10];
	_ =	sdelay $0x1  }
0xca: {  	v29 =	vld [tilespmem:$0x20]  }
0xcb: {  	v5 =	vadd.s32 $0x1F4, v5  }
0xcc: {  	v30 =	vld [tilespmem:$0x30]  }
0xcd: {  	v6 =	vadd.s32 $0x1F4, v6;
	_ =	sdelay $0x1  }
0xce: {  	v31 =	vld [tilespmem:$0x1C0];
	v7 =	vadd.s32 $0x1F4, v29  }
0xcf: {  	v5 =	vld.idx.msk [tilespmem:v5+s17+$0x0], $0xffff  }
0xd0: {  	v32 =	vld [tilespmem:$0x1D0];
	v8 =	vadd.s32 $0x1F4, v30  }
0xd1: {  	v6 =	vld.idx.msk [tilespmem:v6+s17+$0x0], $0xffff  }
0xd2: {  	v33 =	vld [tilespmem:$0x1E0]  }
0xd3: {  	v7 =	vld.idx.msk [tilespmem:v7+s17+$0x0], $0xffff  }
0xd4: {  	v34 =	vld [tilespmem:$0x1F0];
	v5 =	vadd.f32 v31, v5  }
0xd5: {  	v8 =	vld.idx.msk [tilespmem:v8+s17+$0x0], $0xffff  }
0xd6: {  	v6 =	vadd.f32 v32, v6;
	vm10 =	vgt.f32 v5, $-3.399999950e+38  }
0xd7: {  	v5 =	vnsel vm10, $0xFF7FC99E, v5  }
0xd8: {  	v7 =	vadd.f32 v33, v7;
	vm11 =	vgt.f32 v6, v5  }
0xd9: {  	v5 =	vsel vm11, v6, v5  }
0xda: {  	v35 =	vadd.f32 v34, v8;
	vm12 =	vgt.f32 v7, v5  }
0xdb: {  	v5 =	vsel vm12, v7, v5  }
0xdc: {  	vm13 =	vgt.f32 v35, v5  }
0xdd: {  	v5 =	vsel vm13, v35, v5  }
0xde: {  	(xrf0) =	vmax.scan.msk.f32 $0xffff, v5;
	_ =	sdelay $0x5  }
0xdf: {  	v37 =	vnsel vm10, $0x80000000, v1;
	v36, _, _ =	vpop (xrf0)  }
0xe0: {  	v7 =	vsel vm11, v2, v37;
	v6 =	vbroadcast v36, $0xF  }
0xe1: {  	v7 =	vsel vm12, v3, v7  }
0xe2: {  	v38 =	vsel vm13, v4, v7;
	vm14 =	veq.f32 v5, v6  }
0xe3: {  	v5 =	vnsel vm14, $0x80000040, v38  }
0xe4: {  	(xrf0) =	vmin.scan.msk.u32 $0xffff, v5;
	_ =	sdelay $0x5  }
0xe5: {  	v5, _, _ =	vpop (xrf0)  }
0xe6: {  	(v2sf) =	vpush v5, $0xF;
	_ =	sdelay $0xe  }
0xe7: {  	s24 =	spop (v2sf)  }
0xe8: {  	s6 =	sxor.u32 $0x80000000, s24  }
0xe9: {  	v39 =	vmov s6;
	_ =	sdelay $0x4  }
0xea: {  	v40 =	vimm.s32 $0x5;
	v5 =	vld.idx.msk [tilespmem:v39+s3+$0x0], $0xffff;
	_ =	sdelay $0x4  }
0xeb: {  	[tilespmem:v40+s19+$0x0] =	vst.idx.msk $0x1, v5  }
0xec: {  	v5 =	vld [tilespmem:$0x0];
	_ =	sdelay $0x1  }
0xed: {  	v6 =	vld [tilespmem:$0x10];
	_ =	sdelay $0x1  }
0xee: {  	v41 =	vld [tilespmem:$0x20]  }
0xef: {  	v5 =	vadd.s32 $0x258, v5  }
0xf0: {  	v42 =	vld [tilespmem:$0x30]  }
0xf1: {  	v6 =	vadd.s32 $0x258, v6;
	_ =	sdelay $0x1  }
0xf2: {  	v43 =	vld [tilespmem:$0x200];
	v7 =	vadd.s32 $0x258, v41  }
0xf3: {  	v5 =	vld.idx.msk [tilespmem:v5+s17+$0x0], $0xffff  }
0xf4: {  	v44 =	vld [tilespmem:$0x210];
	v8 =	vadd.s32 $0x258, v42  }
0xf5: {  	v6 =	vld.idx.msk [tilespmem:v6+s17+$0x0], $0xffff  }
0xf6: {  	v45 =	vld [tilespmem:$0x220]  }
0xf7: {  	v7 =	vld.idx.msk [tilespmem:v7+s17+$0x0], $0xffff  }
0xf8: {  	v46 =	vld [tilespmem:$0x230];
	v5 =	vadd.f32 v43, v5  }
0xf9: {  	v8 =	vld.idx.msk [tilespmem:v8+s17+$0x0], $0xffff  }
0xfa: {  	v6 =	vadd.f32 v44, v6;
	vm15 =	vgt.f32 v5, $-3.399999950e+38  }
0xfb: {  	v5 =	vnsel vm15, $0xFF7FC99E, v5  }
0xfc: {  	v7 =	vadd.f32 v45, v7;
	vm6 =	vgt.f32 v6, v5  }
0xfd: {  	v5 =	vsel vm6, v6, v5  }
0xfe: {  	v47 =	vadd.f32 v46, v8;
	vm7 =	vgt.f32 v7, v5  }
0xff: {  	v5 =	vsel vm7, v7, v5  }
0x100: {  	vm8 =	vgt.f32 v47, v5  }
0x101: {  	v5 =	vsel vm8, v47, v5  }
0x102: {  	(xrf0) =	vmax.scan.msk.f32 $0xffff, v5;
	_ =	sdelay $0x5  }
0x103: {  	v49 =	vnsel vm15, $0x80000000, v1;
	v48, _, _ =	vpop (xrf0)  }
0x104: {  	v7 =	vsel vm6, v2, v49;
	v6 =	vbroadcast v48, $0xF  }
0x105: {  	v7 =	vsel vm7, v3, v7  }
0x106: {  	v50 =	vsel vm8, v4, v7;
	vm9 =	veq.f32 v5, v6  }
0x107: {  	v5 =	vnsel vm9, $0x80000040, v50  }
0x108: {  	(xrf0) =	vmin.scan.msk.u32 $0xffff, v5;
	_ =	sdelay $0x5  }
0x109: {  	v5, _, _ =	vpop (xrf0)  }
0x10a: {  	(v2sf) =	vpush v5, $0xF;
	_ =	sdelay $0xe  }
0x10b: {  	s25 =	spop (v2sf)  }
0x10c: {  	s6 =	sxor.u32 $0x80000000, s25  }
0x10d: {  	v51 =	vmov s6;
	_ =	sdelay $0x4  }
0x10e: {  	v52 =	vimm.s32 $0x6;
	v5 =	vld.idx.msk [tilespmem:v51+s3+$0x0], $0xffff;
	_ =	sdelay $0x4  }
0x10f: {  	[tilespmem:v52+s19+$0x0] =	vst.idx.msk $0x1, v5  }
0x110: {  	v5 =	vld [tilespmem:$0x0];
	_ =	sdelay $0x1  }
0x111: {  	v6 =	vld [tilespmem:$0x10];
	_ =	sdelay $0x1  }
0x112: {  	v53 =	vld [tilespmem:$0x20]  }
0x113: {  	v5 =	vadd.s32 $0x2BC, v5  }
0x114: {  	v54 =	vld [tilespmem:$0x30]  }
0x115: {  	v6 =	vadd.s32 $0x2BC, v6;
	_ =	sdelay $0x1  }
0x116: {  	v55 =	vld [tilespmem:$0x240];
	v7 =	vadd.s32 $0x2BC, v53  }
0x117: {  	v5 =	vld.idx.msk [tilespmem:v5+s17+$0x0], $0xffff  }
0x118: {  	v56 =	vld [tilespmem:$0x250];
	v8 =	vadd.s32 $0x2BC, v54  }
0x119: {  	v6 =	vld.idx.msk [tilespmem:v6+s17+$0x0], $0xffff  }
0x11a: {  	v57 =	vld [tilespmem:$0x260]  }
0x11b: {  	v7 =	vld.idx.msk [tilespmem:v7+s17+$0x0], $0xffff  }
0x11c: {  	v58 =	vld [tilespmem:$0x270];
	v5 =	vadd.f32 v55, v5  }
0x11d: {  	v8 =	vld.idx.msk [tilespmem:v8+s17+$0x0], $0xffff  }
0x11e: {  	v6 =	vadd.f32 v56, v6;
	vm10 =	vgt.f32 v5, $-3.399999950e+38  }
0x11f: {  	v5 =	vnsel vm10, $0xFF7FC99E, v5  }
0x120: {  	v7 =	vadd.f32 v57, v7;
	vm11 =	vgt.f32 v6, v5  }
0x121: {  	v5 =	vsel vm11, v6, v5  }
0x122: {  	v59 =	vadd.f32 v58, v8;
	vm12 =	vgt.f32 v7, v5  }
0x123: {  	v5 =	vsel vm12, v7, v5  }
0x124: {  	vm13 =	vgt.f32 v59, v5  }
0x125: {  	v5 =	vsel vm13, v59, v5  }
0x126: {  	(xrf0) =	vmax.scan.msk.f32 $0xffff, v5;
	_ =	sdelay $0x5  }
0x127: {  	v1 =	vnsel vm10, $0x80000000, v1;
	v60, _, _ =	vpop (xrf0)  }
0x128: {  	v1 =	vsel vm11, v2, v1;
	v6 =	vbroadcast v60, $0xF  }
0x129: {  	v1 =	vsel vm12, v3, v1  }
0x12a: {  	v1 =	vsel vm13, v4, v1;
	vm14 =	veq.f32 v5, v6  }
0x12b: {  	v1 =	vnsel vm14, $0x80000040, v1  }
0x12c: {  	(xrf0) =	vmin.scan.msk.u32 $0xffff, v1;
	_ =	sdelay $0x5  }
0x12d: {  	v1, _, _ =	vpop (xrf0)  }
0x12e: {  	(v2sf) =	vpush v1, $0xF;
	_ =	sdelay $0xe  }
0x12f: {  	s26 =	spop (v2sf)  }
0x130: {  	s4 =	sxor.u32 $0x80000000, s26  }
0x131: {  	v61 =	vmov s4  }
0x132: {  	v62 =	vimm.s32 $0x76543210  }
0x133: {  	v2 =	vunpack.c.l.s4.s8 v62;
	_ =	sdelay $0x1  }
0x134: {  	v2 =	vunpack.c.0.s8.s32 v2  }
0x135: {  	v63 =	vimm.s32 $0x7;
	vm15 =	vcmask $0x1F00;
	v1 =	vld.idx.msk [tilespmem:v61+s3+$0x0], $0xffff  }
0x136: {  	v2 =	vnsel vm15, $0x7, v2;
	_ =	sdelay $0x2  }
0x137: {  	s28 =	sshll.u32 s14, $0x3  }
0x138: {  	s29 =	simm.s32 $0x680;
	v0 =	vadd.s32 s28, v0;
	[tilespmem:v63+s19+$0x0] =	vst.idx.msk $0x1, v1  }
0x139: {  	s30 =	simm.s32 $0x8;
	s31 =	simm.s32 $0x1;
	[tilespmem:v2+s29+$0x0] =	vst.idx.msk $0xff, v0  }
0x13a: {  	[hbm4b:s2+s30] =	stream.indirect.scatter [tilespmem:s19], [sflag:$0x1], $0x1, s29, s30, $0xb8;
	[tilespmem:$0x700] =	vst v63  }
0x13b: {  	_ =	swait.ge [sflag:s31], $0x8  }
0x13c: {  	[sflag:s31] =	ssyncset.done $0x0  }
0x13d: {  	[sflag:s31] =	ssyncadd.s32 $0xFFFFFFF8  }
0x13e: {  	_ =	sfence.sel $0x180000  }
0x13f: {  	[bflag:$0x0] =	sbarrier.arrive $0xFFFF  }
0x140: {  	p0 =	sne.s32 s14, $0x0;
	_ =	strace $0x90000047  }
0x141: {  	s0 =	sadd.s32 @!p0 $0x100000, s0;
	[bflag:$0x2] =	sbarrier.arrive $0xFFFF  }
0x142: {  	[sflag:s0] =	ssyncadd.tile.s32 @!p0 $0x1;
	_ =	shalt  }
.Lfunc_end2:
_tile_overlayer_lowered:
.L_overlay_start_2:
0x143: {  	(tag) =	ssettag $0x2  }
0x144: {  	s0 =	rddreg [dreg:$0x0];
	s2 =	stileid.u32  }
0x145: {  	s1 =	rddreg [dreg:$0x1];
	p0 =	sne.s32 s2, $0x0  }
0x146: {  	s3 =	rddreg [dreg:$0x2];
	[bflag:$0x3] =	sbarrier.arrive $0xFFFF;
	s2 =	simm.s32 @!p0 $0x1C02  }
0x147: {  	[timem:s3], [sflag:s2] =	dma.local @!p0 [hbm:s0], s1  }
0x148: {  	s0 =	simm.s32 @!p0 $0x2  }
0x149: {  	_ =	swait.ge @!p0 [sflag:s0], s1  }
0x14a: {  	s1 =	ssub.s32 @!p0 $0x0, s1;
	[sflag:s0] =	ssyncset.done @!p0 $0x0  }
0x14b: {  	[sflag:s0] =	ssyncadd.s32 @!p0 s1  }
0x14c: {  	[bflag:$0x3] =	sbarrier.arrive $0xFFFF  }
0x14d: {  	_ =	shalt  }

</sc_bundles>
